<compile_context>
chip_gen: v7x
topology: tpu7x:2x2x1
jax: 0.10.2.dev20260603
libtpu: 0.0.44.dev20260713+nightly
codegen_flags: <defaults>
</compile_context>

<pallas_src>
import functools

import jax
import jax.numpy as jnp
from jax import lax
from jax.experimental import pallas as pl
from jax.experimental.pallas import tpu as pltpu
from jax.experimental.pallas import tpu_sc as plsc

N = 10000
E = 320000
D = 128
OUT = 128

NC = 2
NS = 16
NW = NC * NS
EPW = E // NW
CHUNK = 80
NCHUNK = EPW // CHUNK
NPAIR = (NCHUNK - 1) // 2
N_PAD = 10112


def _sc_values(x, src, dst, z_acc):
    mesh = plsc.VectorSubcoreMesh(core_axis_name="c", subcore_axis_name="s")

    @functools.partial(
        pl.kernel,
        mesh=mesh,
        out_type=jax.ShapeDtypeStruct((NC, N_PAD, D), jnp.float32),
        scratch_types=(
            [pltpu.VMEM((CHUNK,), jnp.int32) for _ in range(4)]
            + [pltpu.VMEM((CHUNK,), jnp.int32) for _ in range(4)]
            + [pltpu.VMEM((CHUNK, D), jnp.float32) for _ in range(4)]
            + [pltpu.VMEM_SHARED((N_PAD, D), jnp.float32)]
            + [pltpu.SemaphoreType.DMA for _ in range(8)]
        ),
    )
    def agg(x_hbm, src_hbm, dst_hbm, zacc_hbm, part_hbm, *refs):
        src_v = refs[0:4]
        dst_v = refs[4:8]
        rows_v = refs[8:12]
        acc_sh = refs[12]
        gsem = refs[13:17]
        isem = refs[17:21]
        c = lax.axis_index("c")
        s = lax.axis_index("s")
        wid = c * NS + s
        base = wid * EPW

        @pl.when(s == 0)
        def _():
            pltpu.sync_copy(zacc_hbm, acc_sh)
        plsc.subcore_barrier()

        def load_idx(j, m):
            off = base + j * CHUNK
            pltpu.async_copy(src_hbm.at[pl.ds(off, CHUNK)], src_v[m], isem[m])
            pltpu.async_copy(dst_hbm.at[pl.ds(off, CHUNK)], dst_v[m], isem[m])

        def wait_idx(m):
            pltpu.make_async_copy(src_hbm.at[pl.ds(0, CHUNK)], src_v[m],
                                  isem[m]).wait()
            pltpu.make_async_copy(dst_hbm.at[pl.ds(0, CHUNK)], dst_v[m],
                                  isem[m]).wait()

        def wait_gather(m):
            pltpu.make_async_copy(x_hbm.at[src_v[m]], rows_v[m],
                                  gsem[m]).wait()

        for m in range(4):
            load_idx(m, m)
        for m in range(3):
            wait_idx(m)
            pltpu.async_copy(x_hbm.at[src_v[m]], rows_v[m], gsem[m])

        def quad(k, carry):
            j4 = 4 * k
            for i in range(4):
                jj = j4 + i
                m = (i + 3) % 4
                wait_gather(i)
                wait_idx(m)
                pltpu.async_copy(x_hbm.at[src_v[m]], rows_v[m], gsem[m])
                pltpu.sync_copy(rows_v[i], acc_sh.at[dst_v[i]], add=True)
                load_idx(jnp.minimum(jj + 4, NCHUNK - 1), i)
            return carry
        lax.fori_loop(0, (NCHUNK - 1) // 4, quad, 0)

        wait_gather(0)
        pltpu.sync_copy(rows_v[0], acc_sh.at[dst_v[0]], add=True)
        wait_gather(1)
        wait_gather(2)
        wait_idx(3)
        plsc.subcore_barrier()

        @pl.when(s == 0)
        def _():
            pltpu.sync_copy(acc_sh, part_hbm.at[c])

    return agg(x, src, dst, z_acc)


def _sc_degree(dst, z_deg, ones_h):
    mesh = plsc.VectorSubcoreMesh(core_axis_name="c", subcore_axis_name="s")

    @functools.partial(
        pl.kernel,
        mesh=mesh,
        out_type=jax.ShapeDtypeStruct((NC, N_PAD, D), jnp.float32),
        scratch_types=[
            pltpu.VMEM((CHUNK,), jnp.int32),
            pltpu.VMEM((CHUNK,), jnp.int32),
            pltpu.VMEM((CHUNK, D), jnp.float32),
            pltpu.VMEM_SHARED((N_PAD, D), jnp.float32),
            pltpu.SemaphoreType.DMA,
            pltpu.SemaphoreType.DMA,
        ],
    )
    def deg(dst_hbm, zdeg_hbm, ones_hbm, degp_hbm,
            dst_v0, dst_v1, ones_v, deg_sh, isem0, isem1):
        c = lax.axis_index("c")
        s = lax.axis_index("s")
        wid = c * NS + s
        base = wid * EPW

        pltpu.sync_copy(ones_hbm, ones_v)

        @pl.when(s == 0)
        def _():
            pltpu.sync_copy(zdeg_hbm, deg_sh)
        plsc.subcore_barrier()

        pltpu.sync_copy(dst_hbm.at[pl.ds(base, CHUNK)], dst_v0)

        def pair(k, carry):
            j = 2 * k
            pltpu.async_copy(dst_hbm.at[pl.ds(base + (j + 1) * CHUNK, CHUNK)],
                             dst_v1, isem1)
            pltpu.sync_copy(ones_v, deg_sh.at[dst_v0], add=True)
            pltpu.make_async_copy(dst_hbm.at[pl.ds(0, CHUNK)], dst_v1,
                                  isem1).wait()
            jn = jnp.minimum(j + 2, NCHUNK - 1)
            pltpu.async_copy(dst_hbm.at[pl.ds(base + jn * CHUNK, CHUNK)],
                             dst_v0, isem0)
            pltpu.sync_copy(ones_v, deg_sh.at[dst_v1], add=True)
            pltpu.make_async_copy(dst_hbm.at[pl.ds(0, CHUNK)], dst_v0,
                                  isem0).wait()
            return carry
        lax.fori_loop(0, NPAIR, pair, 0)

        pltpu.sync_copy(ones_v, deg_sh.at[dst_v0], add=True)
        plsc.subcore_barrier()

        @pl.when(s == 0)
        def _():
            pltpu.sync_copy(deg_sh, degp_hbm.at[c])

    return deg(dst, z_deg, ones_h)


TB = 1000


def _tc_combine(part, degp, x, W_l, W_r, b2):
    def body(p_ref, d_ref, x_ref, wl_ref, wr_ref, b_ref, o_ref):
        summed = p_ref[0] + p_ref[1]
        deg = d_ref[0, :, 0:1] + d_ref[1, :, 0:1]
        mean = summed / jnp.maximum(deg, 1.0)
        o_ref[...] = (
            jnp.dot(mean, wl_ref[...], preferred_element_type=jnp.float32)
            + jnp.dot(x_ref[...], wr_ref[...], preferred_element_type=jnp.float32)
            + b_ref[...]
        )

    return pl.pallas_call(
        body,
        grid=(N // TB,),
        in_specs=[
            pl.BlockSpec((NC, TB, D), lambda i: (0, i, 0)),
            pl.BlockSpec((NC, TB, 8), lambda i: (0, i, 0)),
            pl.BlockSpec((TB, D), lambda i: (i, 0)),
            pl.BlockSpec((D, OUT), lambda i: (0, 0)),
            pl.BlockSpec((D, OUT), lambda i: (0, 0)),
            pl.BlockSpec((1, OUT), lambda i: (0, 0)),
        ],
        out_specs=pl.BlockSpec((TB, OUT), lambda i: (i, 0)),
        out_shape=jax.ShapeDtypeStruct((N, OUT), jnp.float32),
    )(part, degp, x, W_l, W_r, b2)


@jax.jit
def _run(x, edge_index, W_l, W_r, b):
    src = edge_index[0].astype(jnp.int32)
    dst = edge_index[1].astype(jnp.int32)
    z_acc = jnp.zeros((N_PAD, D), jnp.float32)
    ones_h = jnp.ones((CHUNK, D), jnp.float32)
    part = _sc_values(x, src, dst, z_acc)
    degp = _sc_degree(dst, z_acc, ones_h)
    return _tc_combine(part, degp[:, :, :8], x, W_l, W_r, b.reshape(1, OUT))


def kernel(x, edge_index, W_l, W_r, b):
    return _run(x, edge_index, W_l, W_r, b)

# --- scband reference (transcript-rebuilt; emitter-appended) ---
"""Pipeline reference for scband-mol-gnn-24249385353612 (READ-ONLY COPY).

The authoritative reference and input builder live on the scoring server;
editing this copy changes nothing except your own understanding.
"""

import jax, jax.numpy as jnp
import numpy as np

N = 10000
E = 320000
D = 128
OUT = 128

def setup_inputs(seed: int = 0) -> dict:
    key = jax.random.key(seed)
    k1, k2, k3, k4, k5 = jax.random.split(key, 5)
    x = jax.random.normal(k1, (N, D), dtype=jnp.float32)
    edge_index = jax.random.randint(k2, (2, E), 0, N)
    W_l = jax.random.normal(k3, (D, OUT), dtype=jnp.float32) * 0.05
    W_r = jax.random.normal(k4, (D, OUT), dtype=jnp.float32) * 0.05
    b = jax.random.normal(k5, (OUT,), dtype=jnp.float32) * 0.05
    return {"x": x, "edge_index": edge_index, "W_l": W_l, "W_r": W_r, "b": b}

def reference(x, edge_index, W_l, W_r, b):
    # SAGEConv with mean aggregation:
    # out_i = W_l @ mean_{j in N(i)} x_j + W_r @ x_i + b
    src = edge_index[0]
    dst = edge_index[1]
    msg = jnp.take(x, src, axis=0)                      # gather  [E, D]
    summed = jax.ops.segment_sum(msg, dst, num_segments=N)   # scatter-add [N, D]
    deg = jax.ops.segment_sum(jnp.ones((msg.shape[0], 1), dtype=x.dtype), dst, num_segments=N)
    mean_agg = summed / jnp.clip(deg, 1.0, None)
    out = mean_agg @ W_l + x @ W_r + b
    return out

if __name__ == "__main__":
    import jax
    _d = setup_inputs()
    print(jax.jit(kernel)(*tuple(_d.values())))

</pallas_src>

<mosaic_0001>
#map = affine_map<(d0, d1) -> (0)>
#map1 = affine_map<(d0, d1) -> (0, 0)>
#map2 = affine_map<(d0, d1) -> (0, 0, 0)>
module attributes {stable_mosaic.version = 14 : i64} {
  func.func @deg(%arg0: i32, %arg1: i32, %arg2: memref<320000xi32, #tpu.memory_space<hbm>>, %arg3: memref<10112x128xf32, #tpu.memory_space<hbm>>, %arg4: memref<80x128xf32, #tpu.memory_space<hbm>>, %arg5: memref<2x10112x128xf32, #tpu.memory_space<hbm>>, %arg6: memref<80xi32, #tpu.memory_space<vmem>>, %arg7: memref<80xi32, #tpu.memory_space<vmem>>, %arg8: memref<80x128xf32, #tpu.memory_space<vmem>>, %arg9: memref<10112x128xf32, #tpu.memory_space<vmem_shared>>, %arg10: memref<!tpu.dma_semaphore, #tpu.memory_space<semaphore_mem>>, %arg11: memref<!tpu.dma_semaphore, #tpu.memory_space<semaphore_mem>>) attributes {dimension_semantics = [#tpu.dimension_semantics<core_parallel>, #tpu.dimension_semantics<subcore_parallel>], iteration_bounds = array<i64: 2, 16>, scalar_prefetch = 0 : i64, scratch_operands = 6 : i64, tpu.core_type = #tpu.core_type<sc_vector_subcore>, window_params = [{transform_indices = #map}, {transform_indices = #map1}, {transform_indices = #map1}, {transform_indices = #map2}]} {
    %mul3A = arith.constant 16 : i32
    %mul3A_0 = arith.muli %arg0, %mul3A : i32
    %add3A = arith.addi %mul3A_0, %arg1 : i32
    %mul3A_1 = arith.constant 10000 : i32
    %mul3A_2 = arith.muli %add3A, %mul3A_1 : i32
    "tpu.region"() ({
      %run_scoped3A = tpu.sem_alloc : memref<!tpu.dma_semaphore, #tpu.memory_space<semaphore_mem>>
      tpu.enqueue_dma source(%arg4 : memref<80x128xf32, #tpu.memory_space<hbm>>) target(%arg8 : memref<80x128xf32, #tpu.memory_space<vmem>>) target_semaphore(%run_scoped3A : memref<!tpu.dma_semaphore, #tpu.memory_space<semaphore_mem>>)
      tpu.wait_dma2 semaphore(%run_scoped3A : memref<!tpu.dma_semaphore, #tpu.memory_space<semaphore_mem>>) src(%arg4 : memref<80x128xf32, #tpu.memory_space<hbm>>) dst(%arg8 : memref<80x128xf32, #tpu.memory_space<vmem>>)
      tpu.yield
    }) : () -> ()
    %eq3A = arith.constant 0 : i32
    %eq3A_3 = arith.cmpi eq, %arg1, %eq3A : i32
    %convert_element_type3A = arith.extui %eq3A_3 : i1 to i32
    %cond3A = arith.constant 0 : i32
    %cond3A_4 = arith.cmpi ne, %convert_element_type3A, %cond3A : i32
    scf.if %cond3A_4 {
      "tpu.region"() ({
        %run_scoped3A = tpu.sem_alloc : memref<!tpu.dma_semaphore, #tpu.memory_space<semaphore_mem>>
        tpu.enqueue_dma source(%arg3 : memref<10112x128xf32, #tpu.memory_space<hbm>>) target(%arg9 : memref<10112x128xf32, #tpu.memory_space<vmem_shared>>) target_semaphore(%run_scoped3A : memref<!tpu.dma_semaphore, #tpu.memory_space<semaphore_mem>>)
        tpu.wait_dma2 semaphore(%run_scoped3A : memref<!tpu.dma_semaphore, #tpu.memory_space<semaphore_mem>>) src(%arg3 : memref<10112x128xf32, #tpu.memory_space<hbm>>) dst(%arg9 : memref<10112x128xf32, #tpu.memory_space<vmem_shared>>)
        tpu.yield
      }) : () -> ()
    } else {
    }
    %barrier3A = arith.constant 0 : index
    tpu.barrier barrier_id(%barrier3A)
    "tpu.region"() ({
      %run_scoped3A = tpu.sem_alloc : memref<!tpu.dma_semaphore, #tpu.memory_space<semaphore_mem>>
      %dma_start3A = tpu.memref_slice %arg2[%mul3A_2] : memref<320000xi32, #tpu.memory_space<hbm>> -> memref<80xi32, #tpu.memory_space<hbm>>
      %dma_start3A_16 = tpu.memref_slice %arg2[%mul3A_2] : memref<320000xi32, #tpu.memory_space<hbm>> -> memref<80xi32, #tpu.memory_space<hbm>>
      tpu.enqueue_dma source(%dma_start3A_16 : memref<80xi32, #tpu.memory_space<hbm>>) target(%arg6 : memref<80xi32, #tpu.memory_space<vmem>>) target_semaphore(%run_scoped3A : memref<!tpu.dma_semaphore, #tpu.memory_space<semaphore_mem>>)
      %dma_wait3A = tpu.memref_slice %arg2[%mul3A_2] : memref<320000xi32, #tpu.memory_space<hbm>> -> memref<80xi32, #tpu.memory_space<hbm>>
      %dma_wait3A_17 = tpu.memref_slice %arg2[%mul3A_2] : memref<320000xi32, #tpu.memory_space<hbm>> -> memref<80xi32, #tpu.memory_space<hbm>>
      tpu.wait_dma2 semaphore(%run_scoped3A : memref<!tpu.dma_semaphore, #tpu.memory_space<semaphore_mem>>) src(%dma_wait3A_17 : memref<80xi32, #tpu.memory_space<hbm>>) dst(%arg6 : memref<80xi32, #tpu.memory_space<vmem>>)
      tpu.yield
    }) : () -> ()
    %scan3A = arith.constant 0 : i32
    %scan3A_5 = arith.constant 0 : i32
    %scan3A_6 = arith.constant 62 : i32
    %scan3A_7 = arith.addi %scan3A_5, %scan3A_6 : i32
    %scan3A_8 = arith.constant 1 : i32
    scf.for %scan3A_16 = %scan3A_5 to %scan3A_7 step %scan3A_8  : i32 {
      %mul3A_17 = arith.constant 2 : i32
      %mul3A_18 = arith.muli %mul3A_17, %scan3A_16 : i32
      %add3A_19 = arith.constant 1 : i32
      %add3A_20 = arith.addi %mul3A_18, %add3A_19 : i32
      %mul3A_21 = arith.constant 80 : i32
      %mul3A_22 = arith.muli %add3A_20, %mul3A_21 : i32
      %add3A_23 = arith.addi %mul3A_2, %mul3A_22 : i32
      %dma_start3A = tpu.memref_slice %arg2[%add3A_23] : memref<320000xi32, #tpu.memory_space<hbm>> -> memref<80xi32, #tpu.memory_space<hbm>>
      %dma_start3A_24 = tpu.memref_slice %arg2[%add3A_23] : memref<320000xi32, #tpu.memory_space<hbm>> -> memref<80xi32, #tpu.memory_space<hbm>>
      tpu.enqueue_dma source(%dma_start3A_24 : memref<80xi32, #tpu.memory_space<hbm>>) target(%arg7 : memref<80xi32, #tpu.memory_space<vmem>>) target_semaphore(%arg11 : memref<!tpu.dma_semaphore, #tpu.memory_space<semaphore_mem>>)
      "tpu.region"() ({
        %run_scoped3A = tpu.sem_alloc : memref<!tpu.dma_semaphore, #tpu.memory_space<semaphore_mem>>
        %dma_start3A_40 = arith.constant 0 : i32
        %dma_start3A_41 = arith.constant 0 : i32
        %dma_start3A_42 = tpu.memref_slice %arg9[%dma_start3A_40, %dma_start3A_41] : memref<10112x128xf32, #tpu.memory_space<vmem_shared>> -> memref<10112x128xf32, #tpu.memory_space<vmem_shared>>
        tpu.enqueue_indirect_dma source(%arg8 : memref<80x128xf32, #tpu.memory_space<vmem>>) target(%dma_start3A_42 : memref<10112x128xf32, #tpu.memory_space<vmem_shared>>) offsets(%arg6 : memref<80xi32, #tpu.memory_space<vmem>>) semaphore(%run_scoped3A : memref<!tpu.dma_semaphore, #tpu.memory_space<semaphore_mem>>) {add = true}
        %dma_wait3A_43 = arith.constant 0 : i32
        %dma_wait3A_44 = arith.constant 0 : i32
        %dma_wait3A_45 = tpu.memref_slice %arg9[%dma_wait3A_43, %dma_wait3A_44] : memref<10112x128xf32, #tpu.memory_space<vmem_shared>> -> memref<10112x128xf32, #tpu.memory_space<vmem_shared>>
        tpu.wait_indirect_dma semaphore(%run_scoped3A : memref<!tpu.dma_semaphore, #tpu.memory_space<semaphore_mem>>) src(%arg8 : memref<80x128xf32, #tpu.memory_space<vmem>>) dst(%dma_wait3A_45 : memref<10112x128xf32, #tpu.memory_space<vmem_shared>>)
        tpu.yield
      }) : () -> ()
      %dma_wait3A = arith.constant 0 : i32
      %dma_wait3A_25 = tpu.memref_slice %arg2[%dma_wait3A] : memref<320000xi32, #tpu.memory_space<hbm>> -> memref<80xi32, #tpu.memory_space<hbm>>
      %dma_wait3A_26 = arith.constant 0 : i32
      %dma_wait3A_27 = tpu.memref_slice %arg2[%dma_wait3A_26] : memref<320000xi32, #tpu.memory_space<hbm>> -> memref<80xi32, #tpu.memory_space<hbm>>
      tpu.wait_dma2 semaphore(%arg11 : memref<!tpu.dma_semaphore, #tpu.memory_space<semaphore_mem>>) src(%dma_wait3A_27 : memref<80xi32, #tpu.memory_space<hbm>>) dst(%arg7 : memref<80xi32, #tpu.memory_space<vmem>>)
      %add3A_28 = arith.constant 2 : i32
      %add3A_29 = arith.addi %mul3A_18, %add3A_28 : i32
      %min3A = arith.constant 124 : i32
      %min3A_30 = arith.minsi %add3A_29, %min3A : i32
      %mul3A_31 = arith.constant 80 : i32
      %mul3A_32 = arith.muli %min3A_30, %mul3A_31 : i32
      %add3A_33 = arith.addi %mul3A_2, %mul3A_32 : i32
      %dma_start3A_34 = tpu.memref_slice %arg2[%add3A_33] : memref<320000xi32, #tpu.memory_space<hbm>> -> memref<80xi32, #tpu.memory_space<hbm>>
      %dma_start3A_35 = tpu.memref_slice %arg2[%add3A_33] : memref<320000xi32, #tpu.memory_space<hbm>> -> memref<80xi32, #tpu.memory_space<hbm>>
      tpu.enqueue_dma source(%dma_start3A_35 : memref<80xi32, #tpu.memory_space<hbm>>) target(%arg6 : memref<80xi32, #tpu.memory_space<vmem>>) target_semaphore(%arg10 : memref<!tpu.dma_semaphore, #tpu.memory_space<semaphore_mem>>)
      "tpu.region"() ({
        %run_scoped3A = tpu.sem_alloc : memref<!tpu.dma_semaphore, #tpu.memory_space<semaphore_mem>>
        %dma_start3A_40 = arith.constant 0 : i32
        %dma_start3A_41 = arith.constant 0 : i32
        %dma_start3A_42 = tpu.memref_slice %arg9[%dma_start3A_40, %dma_start3A_41] : memref<10112x128xf32, #tpu.memory_space<vmem_shared>> -> memref<10112x128xf32, #tpu.memory_space<vmem_shared>>
        tpu.enqueue_indirect_dma source(%arg8 : memref<80x128xf32, #tpu.memory_space<vmem>>) target(%dma_start3A_42 : memref<10112x128xf32, #tpu.memory_space<vmem_shared>>) offsets(%arg7 : memref<80xi32, #tpu.memory_space<vmem>>) semaphore(%run_scoped3A : memref<!tpu.dma_semaphore, #tpu.memory_space<semaphore_mem>>) {add = true}
        %dma_wait3A_43 = arith.constant 0 : i32
        %dma_wait3A_44 = arith.constant 0 : i32
        %dma_wait3A_45 = tpu.memref_slice %arg9[%dma_wait3A_43, %dma_wait3A_44] : memref<10112x128xf32, #tpu.memory_space<vmem_shared>> -> memref<10112x128xf32, #tpu.memory_space<vmem_shared>>
        tpu.wait_indirect_dma semaphore(%run_scoped3A : memref<!tpu.dma_semaphore, #tpu.memory_space<semaphore_mem>>) src(%arg8 : memref<80x128xf32, #tpu.memory_space<vmem>>) dst(%dma_wait3A_45 : memref<10112x128xf32, #tpu.memory_space<vmem_shared>>)
        tpu.yield
      }) : () -> ()
      %dma_wait3A_36 = arith.constant 0 : i32
      %dma_wait3A_37 = tpu.memref_slice %arg2[%dma_wait3A_36] : memref<320000xi32, #tpu.memory_space<hbm>> -> memref<80xi32, #tpu.memory_space<hbm>>
      %dma_wait3A_38 = arith.constant 0 : i32
      %dma_wait3A_39 = tpu.memref_slice %arg2[%dma_wait3A_38] : memref<320000xi32, #tpu.memory_space<hbm>> -> memref<80xi32, #tpu.memory_space<hbm>>
      tpu.wait_dma2 semaphore(%arg10 : memref<!tpu.dma_semaphore, #tpu.memory_space<semaphore_mem>>) src(%dma_wait3A_39 : memref<80xi32, #tpu.memory_space<hbm>>) dst(%arg6 : memref<80xi32, #tpu.memory_space<vmem>>)
    }
    %scan3A_9 = arith.constant 62 : i32
    "tpu.region"() ({
      %run_scoped3A = tpu.sem_alloc : memref<!tpu.dma_semaphore, #tpu.memory_space<semaphore_mem>>
      %dma_start3A = arith.constant 0 : i32
      %dma_start3A_16 = arith.constant 0 : i32
      %dma_start3A_17 = tpu.memref_slice %arg9[%dma_start3A, %dma_start3A_16] : memref<10112x128xf32, #tpu.memory_space<vmem_shared>> -> memref<10112x128xf32, #tpu.memory_space<vmem_shared>>
      tpu.enqueue_indirect_dma source(%arg8 : memref<80x128xf32, #tpu.memory_space<vmem>>) target(%dma_start3A_17 : memref<10112x128xf32, #tpu.memory_space<vmem_shared>>) offsets(%arg6 : memref<80xi32, #tpu.memory_space<vmem>>) semaphore(%run_scoped3A : memref<!tpu.dma_semaphore, #tpu.memory_space<semaphore_mem>>) {add = true}
      %dma_wait3A = arith.constant 0 : i32
      %dma_wait3A_18 = arith.constant 0 : i32
      %dma_wait3A_19 = tpu.memref_slice %arg9[%dma_wait3A, %dma_wait3A_18] : memref<10112x128xf32, #tpu.memory_space<vmem_shared>> -> memref<10112x128xf32, #tpu.memory_space<vmem_shared>>
      tpu.wait_indirect_dma semaphore(%run_scoped3A : memref<!tpu.dma_semaphore, #tpu.memory_space<semaphore_mem>>) src(%arg8 : memref<80x128xf32, #tpu.memory_space<vmem>>) dst(%dma_wait3A_19 : memref<10112x128xf32, #tpu.memory_space<vmem_shared>>)
      tpu.yield
    }) : () -> ()
    %barrier3A_10 = arith.constant 0 : index
    tpu.barrier barrier_id(%barrier3A_10)
    %eq3A_11 = arith.constant 0 : i32
    %eq3A_12 = arith.cmpi eq, %arg1, %eq3A_11 : i32
    %convert_element_type3A_13 = arith.extui %eq3A_12 : i1 to i32
    %cond3A_14 = arith.constant 0 : i32
    %cond3A_15 = arith.cmpi ne, %convert_element_type3A_13, %cond3A_14 : i32
    scf.if %cond3A_15 {
      "tpu.region"() ({
        %run_scoped3A = tpu.sem_alloc : memref<!tpu.dma_semaphore, #tpu.memory_space<semaphore_mem>>
        %dma_start3A = arith.constant 0 : i32
        %dma_start3A_16 = arith.constant 0 : i32
        %dma_start3A_17 = tpu.memref_slice %arg5[%arg0, %dma_start3A, %dma_start3A_16] : memref<2x10112x128xf32, #tpu.memory_space<hbm>> -> memref<1x10112x128xf32, #tpu.memory_space<hbm>>
        %dma_start3A_18 = tpu.memref_squeeze %dma_start3A_17 : memref<1x10112x128xf32, #tpu.memory_space<hbm>> -> memref<10112x128xf32, #tpu.memory_space<hbm>>
        tpu.enqueue_dma source(%arg9 : memref<10112x128xf32, #tpu.memory_space<vmem_shared>>) target(%dma_start3A_18 : memref<10112x128xf32, #tpu.memory_space<hbm>>) target_semaphore(%run_scoped3A : memref<!tpu.dma_semaphore, #tpu.memory_space<semaphore_mem>>)
        %dma_wait3A = arith.constant 0 : i32
        %dma_wait3A_19 = arith.constant 0 : i32
        %dma_wait3A_20 = tpu.memref_slice %arg5[%arg0, %dma_wait3A, %dma_wait3A_19] : memref<2x10112x128xf32, #tpu.memory_space<hbm>> -> memref<1x10112x128xf32, #tpu.memory_space<hbm>>
        %dma_wait3A_21 = tpu.memref_squeeze %dma_wait3A_20 : memref<1x10112x128xf32, #tpu.memory_space<hbm>> -> memref<10112x128xf32, #tpu.memory_space<hbm>>
        tpu.wait_dma2 semaphore(%run_scoped3A : memref<!tpu.dma_semaphore, #tpu.memory_space<semaphore_mem>>) src(%arg9 : memref<10112x128xf32, #tpu.memory_space<vmem_shared>>) dst(%dma_wait3A_21 : memref<10112x128xf32, #tpu.memory_space<hbm>>)
        tpu.yield
      }) : () -> ()
    } else {
    }
    return
  }
}

#map = affine_map<(d0, d1) -> (0, 0)>
#map1 = affine_map<(d0, d1) -> (0)>
#map2 = affine_map<(d0, d1) -> (0, 0, 0)>
module attributes {stable_mosaic.version = 14 : i64} {
  func.func @agg(%arg0: i32, %arg1: i32, %arg2: memref<10000x128xf32, #tpu.memory_space<hbm>>, %arg3: memref<320000xi32, #tpu.memory_space<hbm>>, %arg4: memref<320000xi32, #tpu.memory_space<hbm>>, %arg5: memref<10112x128xf32, #tpu.memory_space<hbm>>, %arg6: memref<2x10112x128xf32, #tpu.memory_space<hbm>>, %arg7: memref<80xi32, #tpu.memory_space<vmem>>, %arg8: memref<80xi32, #tpu.memory_space<vmem>>, %arg9: memref<80xi32, #tpu.memory_space<vmem>>, %arg10: memref<80xi32, #tpu.memory_space<vmem>>, %arg11: memref<80xi32, #tpu.memory_space<vmem>>, %arg12: memref<80xi32, #tpu.memory_space<vmem>>, %arg13: memref<80xi32, #tpu.memory_space<vmem>>, %arg14: memref<80xi32, #tpu.memory_space<vmem>>, %arg15: memref<80x128xf32, #tpu.memory_space<vmem>>, %arg16: memref<80x128xf32, #tpu.memory_space<vmem>>, %arg17: memref<80x128xf32, #tpu.memory_space<vmem>>, %arg18: memref<80x128xf32, #tpu.memory_space<vmem>>, %arg19: memref<10112x128xf32, #tpu.memory_space<vmem_shared>>, %arg20: memref<!tpu.dma_semaphore, #tpu.memory_space<semaphore_mem>>, %arg21: memref<!tpu.dma_semaphore, #tpu.memory_space<semaphore_mem>>, %arg22: memref<!tpu.dma_semaphore, #tpu.memory_space<semaphore_mem>>, %arg23: memref<!tpu.dma_semaphore, #tpu.memory_space<semaphore_mem>>, %arg24: memref<!tpu.dma_semaphore, #tpu.memory_space<semaphore_mem>>, %arg25: memref<!tpu.dma_semaphore, #tpu.memory_space<semaphore_mem>>, %arg26: memref<!tpu.dma_semaphore, #tpu.memory_space<semaphore_mem>>, %arg27: memref<!tpu.dma_semaphore, #tpu.memory_space<semaphore_mem>>) attributes {dimension_semantics = [#tpu.dimension_semantics<core_parallel>, #tpu.dimension_semantics<subcore_parallel>], iteration_bounds = array<i64: 2, 16>, scalar_prefetch = 0 : i64, scratch_operands = 21 : i64, tpu.core_type = #tpu.core_type<sc_vector_subcore>, window_params = [{transform_indices = #map}, {transform_indices = #map1}, {transform_indices = #map1}, {transform_indices = #map}, {transform_indices = #map2}]} {
    %mul3A = arith.constant 16 : i32
    %mul3A_0 = arith.muli %arg0, %mul3A : i32
    %add3A = arith.addi %mul3A_0, %arg1 : i32
    %mul3A_1 = arith.constant 10000 : i32
    %mul3A_2 = arith.muli %add3A, %mul3A_1 : i32
    %eq3A = arith.constant 0 : i32
    %eq3A_3 = arith.cmpi eq, %arg1, %eq3A : i32
    %convert_element_type3A = arith.extui %eq3A_3 : i1 to i32
    %cond3A = arith.constant 0 : i32
    %cond3A_4 = arith.cmpi ne, %convert_element_type3A, %cond3A : i32
    scf.if %cond3A_4 {
      "tpu.region"() ({
        %run_scoped3A = tpu.sem_alloc : memref<!tpu.dma_semaphore, #tpu.memory_space<semaphore_mem>>
        tpu.enqueue_dma source(%arg5 : memref<10112x128xf32, #tpu.memory_space<hbm>>) target(%arg19 : memref<10112x128xf32, #tpu.memory_space<vmem_shared>>) target_semaphore(%run_scoped3A : memref<!tpu.dma_semaphore, #tpu.memory_space<semaphore_mem>>)
        tpu.wait_dma2 semaphore(%run_scoped3A : memref<!tpu.dma_semaphore, #tpu.memory_space<semaphore_mem>>) src(%arg5 : memref<10112x128xf32, #tpu.memory_space<hbm>>) dst(%arg19 : memref<10112x128xf32, #tpu.memory_space<vmem_shared>>)
        tpu.yield
      }) : () -> ()
    } else {
    }
    %barrier3A = arith.constant 0 : index
    tpu.barrier barrier_id(%barrier3A)
    %add3A_5 = arith.constant 0 : i32
    %add3A_6 = arith.addi %mul3A_2, %add3A_5 : i32
    %dma_start3A = tpu.memref_slice %arg3[%add3A_6] : memref<320000xi32, #tpu.memory_space<hbm>> -> memref<80xi32, #tpu.memory_space<hbm>>
    %dma_start3A_7 = tpu.memref_slice %arg3[%add3A_6] : memref<320000xi32, #tpu.memory_space<hbm>> -> memref<80xi32, #tpu.memory_space<hbm>>
    tpu.enqueue_dma source(%dma_start3A_7 : memref<80xi32, #tpu.memory_space<hbm>>) target(%arg7 : memref<80xi32, #tpu.memory_space<vmem>>) target_semaphore(%arg24 : memref<!tpu.dma_semaphore, #tpu.memory_space<semaphore_mem>>)
    %dma_start3A_8 = tpu.memref_slice %arg4[%add3A_6] : memref<320000xi32, #tpu.memory_space<hbm>> -> memref<80xi32, #tpu.memory_space<hbm>>
    %dma_start3A_9 = tpu.memref_slice %arg4[%add3A_6] : memref<320000xi32, #tpu.memory_space<hbm>> -> memref<80xi32, #tpu.memory_space<hbm>>
    tpu.enqueue_dma source(%dma_start3A_9 : memref<80xi32, #tpu.memory_space<hbm>>) target(%arg11 : memref<80xi32, #tpu.memory_space<vmem>>) target_semaphore(%arg24 : memref<!tpu.dma_semaphore, #tpu.memory_space<semaphore_mem>>)
    %add3A_10 = arith.constant 80 : i32
    %add3A_11 = arith.addi %mul3A_2, %add3A_10 : i32
    %dma_start3A_12 = tpu.memref_slice %arg3[%add3A_11] : memref<320000xi32, #tpu.memory_space<hbm>> -> memref<80xi32, #tpu.memory_space<hbm>>
    %dma_start3A_13 = tpu.memref_slice %arg3[%add3A_11] : memref<320000xi32, #tpu.memory_space<hbm>> -> memref<80xi32, #tpu.memory_space<hbm>>
    tpu.enqueue_dma source(%dma_start3A_13 : memref<80xi32, #tpu.memory_space<hbm>>) target(%arg8 : memref<80xi32, #tpu.memory_space<vmem>>) target_semaphore(%arg25 : memref<!tpu.dma_semaphore, #tpu.memory_space<semaphore_mem>>)
    %dma_start3A_14 = tpu.memref_slice %arg4[%add3A_11] : memref<320000xi32, #tpu.memory_space<hbm>> -> memref<80xi32, #tpu.memory_space<hbm>>
    %dma_start3A_15 = tpu.memref_slice %arg4[%add3A_11] : memref<320000xi32, #tpu.memory_space<hbm>> -> memref<80xi32, #tpu.memory_space<hbm>>
    tpu.enqueue_dma source(%dma_start3A_15 : memref<80xi32, #tpu.memory_space<hbm>>) target(%arg12 : memref<80xi32, #tpu.memory_space<vmem>>) target_semaphore(%arg25 : memref<!tpu.dma_semaphore, #tpu.memory_space<semaphore_mem>>)
    %add3A_16 = arith.constant 160 : i32
    %add3A_17 = arith.addi %mul3A_2, %add3A_16 : i32
    %dma_start3A_18 = tpu.memref_slice %arg3[%add3A_17] : memref<320000xi32, #tpu.memory_space<hbm>> -> memref<80xi32, #tpu.memory_space<hbm>>
    %dma_start3A_19 = tpu.memref_slice %arg3[%add3A_17] : memref<320000xi32, #tpu.memory_space<hbm>> -> memref<80xi32, #tpu.memory_space<hbm>>
    tpu.enqueue_dma source(%dma_start3A_19 : memref<80xi32, #tpu.memory_space<hbm>>) target(%arg9 : memref<80xi32, #tpu.memory_space<vmem>>) target_semaphore(%arg26 : memref<!tpu.dma_semaphore, #tpu.memory_space<semaphore_mem>>)
    %dma_start3A_20 = tpu.memref_slice %arg4[%add3A_17] : memref<320000xi32, #tpu.memory_space<hbm>> -> memref<80xi32, #tpu.memory_space<hbm>>
    %dma_start3A_21 = tpu.memref_slice %arg4[%add3A_17] : memref<320000xi32, #tpu.memory_space<hbm>> -> memref<80xi32, #tpu.memory_space<hbm>>
    tpu.enqueue_dma source(%dma_start3A_21 : memref<80xi32, #tpu.memory_space<hbm>>) target(%arg13 : memref<80xi32, #tpu.memory_space<vmem>>) target_semaphore(%arg26 : memref<!tpu.dma_semaphore, #tpu.memory_space<semaphore_mem>>)
    %add3A_22 = arith.constant 240 : i32
    %add3A_23 = arith.addi %mul3A_2, %add3A_22 : i32
    %dma_start3A_24 = tpu.memref_slice %arg3[%add3A_23] : memref<320000xi32, #tpu.memory_space<hbm>> -> memref<80xi32, #tpu.memory_space<hbm>>
    %dma_start3A_25 = tpu.memref_slice %arg3[%add3A_23] : memref<320000xi32, #tpu.memory_space<hbm>> -> memref<80xi32, #tpu.memory_space<hbm>>
    tpu.enqueue_dma source(%dma_start3A_25 : memref<80xi32, #tpu.memory_space<hbm>>) target(%arg10 : memref<80xi32, #tpu.memory_space<vmem>>) target_semaphore(%arg27 : memref<!tpu.dma_semaphore, #tpu.memory_space<semaphore_mem>>)
    %dma_start3A_26 = tpu.memref_slice %arg4[%add3A_23] : memref<320000xi32, #tpu.memory_space<hbm>> -> memref<80xi32, #tpu.memory_space<hbm>>
    %dma_start3A_27 = tpu.memref_slice %arg4[%add3A_23] : memref<320000xi32, #tpu.memory_space<hbm>> -> memref<80xi32, #tpu.memory_space<hbm>>
    tpu.enqueue_dma source(%dma_start3A_27 : memref<80xi32, #tpu.memory_space<hbm>>) target(%arg14 : memref<80xi32, #tpu.memory_space<vmem>>) target_semaphore(%arg27 : memref<!tpu.dma_semaphore, #tpu.memory_space<semaphore_mem>>)
    %dma_wait3A = arith.constant 0 : i32
    %dma_wait3A_28 = tpu.memref_slice %arg3[%dma_wait3A] : memref<320000xi32, #tpu.memory_space<hbm>> -> memref<80xi32, #tpu.memory_space<hbm>>
    %dma_wait3A_29 = arith.constant 0 : i32
    %dma_wait3A_30 = tpu.memref_slice %arg3[%dma_wait3A_29] : memref<320000xi32, #tpu.memory_space<hbm>> -> memref<80xi32, #tpu.memory_space<hbm>>
    tpu.wait_dma2 semaphore(%arg24 : memref<!tpu.dma_semaphore, #tpu.memory_space<semaphore_mem>>) src(%dma_wait3A_30 : memref<80xi32, #tpu.memory_space<hbm>>) dst(%arg7 : memref<80xi32, #tpu.memory_space<vmem>>)
    %dma_wait3A_31 = arith.constant 0 : i32
    %dma_wait3A_32 = tpu.memref_slice %arg4[%dma_wait3A_31] : memref<320000xi32, #tpu.memory_space<hbm>> -> memref<80xi32, #tpu.memory_space<hbm>>
    %dma_wait3A_33 = arith.constant 0 : i32
    %dma_wait3A_34 = tpu.memref_slice %arg4[%dma_wait3A_33] : memref<320000xi32, #tpu.memory_space<hbm>> -> memref<80xi32, #tpu.memory_space<hbm>>
    tpu.wait_dma2 semaphore(%arg24 : memref<!tpu.dma_semaphore, #tpu.memory_space<semaphore_mem>>) src(%dma_wait3A_34 : memref<80xi32, #tpu.memory_space<hbm>>) dst(%arg11 : memref<80xi32, #tpu.memory_space<vmem>>)
    %dma_start3A_35 = arith.constant 0 : i32
    %dma_start3A_36 = arith.constant 0 : i32
    %dma_start3A_37 = tpu.memref_slice %arg2[%dma_start3A_35, %dma_start3A_36] : memref<10000x128xf32, #tpu.memory_space<hbm>> -> memref<10000x128xf32, #tpu.memory_space<hbm>>
    tpu.enqueue_indirect_dma source(%dma_start3A_37 : memref<10000x128xf32, #tpu.memory_space<hbm>>) target(%arg15 : memref<80x128xf32, #tpu.memory_space<vmem>>) offsets(%arg7 : memref<80xi32, #tpu.memory_space<vmem>>) semaphore(%arg20 : memref<!tpu.dma_semaphore, #tpu.memory_space<semaphore_mem>>)
    %dma_wait3A_38 = arith.constant 0 : i32
    %dma_wait3A_39 = tpu.memref_slice %arg3[%dma_wait3A_38] : memref<320000xi32, #tpu.memory_space<hbm>> -> memref<80xi32, #tpu.memory_space<hbm>>
    %dma_wait3A_40 = arith.constant 0 : i32
    %dma_wait3A_41 = tpu.memref_slice %arg3[%dma_wait3A_40] : memref<320000xi32, #tpu.memory_space<hbm>> -> memref<80xi32, #tpu.memory_space<hbm>>
    tpu.wait_dma2 semaphore(%arg25 : memref<!tpu.dma_semaphore, #tpu.memory_space<semaphore_mem>>) src(%dma_wait3A_41 : memref<80xi32, #tpu.memory_space<hbm>>) dst(%arg8 : memref<80xi32, #tpu.memory_space<vmem>>)
    %dma_wait3A_42 = arith.constant 0 : i32
    %dma_wait3A_43 = tpu.memref_slice %arg4[%dma_wait3A_42] : memref<320000xi32, #tpu.memory_space<hbm>> -> memref<80xi32, #tpu.memory_space<hbm>>
    %dma_wait3A_44 = arith.constant 0 : i32
    %dma_wait3A_45 = tpu.memref_slice %arg4[%dma_wait3A_44] : memref<320000xi32, #tpu.memory_space<hbm>> -> memref<80xi32, #tpu.memory_space<hbm>>
    tpu.wait_dma2 semaphore(%arg25 : memref<!tpu.dma_semaphore, #tpu.memory_space<semaphore_mem>>) src(%dma_wait3A_45 : memref<80xi32, #tpu.memory_space<hbm>>) dst(%arg12 : memref<80xi32, #tpu.memory_space<vmem>>)
    %dma_start3A_46 = arith.constant 0 : i32
    %dma_start3A_47 = arith.constant 0 : i32
    %dma_start3A_48 = tpu.memref_slice %arg2[%dma_start3A_46, %dma_start3A_47] : memref<10000x128xf32, #tpu.memory_space<hbm>> -> memref<10000x128xf32, #tpu.memory_space<hbm>>
    tpu.enqueue_indirect_dma source(%dma_start3A_48 : memref<10000x128xf32, #tpu.memory_space<hbm>>) target(%arg16 : memref<80x128xf32, #tpu.memory_space<vmem>>) offsets(%arg8 : memref<80xi32, #tpu.memory_space<vmem>>) semaphore(%arg21 : memref<!tpu.dma_semaphore, #tpu.memory_space<semaphore_mem>>)
    %dma_wait3A_49 = arith.constant 0 : i32
    %dma_wait3A_50 = tpu.memref_slice %arg3[%dma_wait3A_49] : memref<320000xi32, #tpu.memory_space<hbm>> -> memref<80xi32, #tpu.memory_space<hbm>>
    %dma_wait3A_51 = arith.constant 0 : i32
    %dma_wait3A_52 = tpu.memref_slice %arg3[%dma_wait3A_51] : memref<320000xi32, #tpu.memory_space<hbm>> -> memref<80xi32, #tpu.memory_space<hbm>>
    tpu.wait_dma2 semaphore(%arg26 : memref<!tpu.dma_semaphore, #tpu.memory_space<semaphore_mem>>) src(%dma_wait3A_52 : memref<80xi32, #tpu.memory_space<hbm>>) dst(%arg9 : memref<80xi32, #tpu.memory_space<vmem>>)
    %dma_wait3A_53 = arith.constant 0 : i32
    %dma_wait3A_54 = tpu.memref_slice %arg4[%dma_wait3A_53] : memref<320000xi32, #tpu.memory_space<hbm>> -> memref<80xi32, #tpu.memory_space<hbm>>
    %dma_wait3A_55 = arith.constant 0 : i32
    %dma_wait3A_56 = tpu.memref_slice %arg4[%dma_wait3A_55] : memref<320000xi32, #tpu.memory_space<hbm>> -> memref<80xi32, #tpu.memory_space<hbm>>
    tpu.wait_dma2 semaphore(%arg26 : memref<!tpu.dma_semaphore, #tpu.memory_space<semaphore_mem>>) src(%dma_wait3A_56 : memref<80xi32, #tpu.memory_space<hbm>>) dst(%arg13 : memref<80xi32, #tpu.memory_space<vmem>>)
    %dma_start3A_57 = arith.constant 0 : i32
    %dma_start3A_58 = arith.constant 0 : i32
    %dma_start3A_59 = tpu.memref_slice %arg2[%dma_start3A_57, %dma_start3A_58] : memref<10000x128xf32, #tpu.memory_space<hbm>> -> memref<10000x128xf32, #tpu.memory_space<hbm>>
    tpu.enqueue_indirect_dma source(%dma_start3A_59 : memref<10000x128xf32, #tpu.memory_space<hbm>>) target(%arg17 : memref<80x128xf32, #tpu.memory_space<vmem>>) offsets(%arg9 : memref<80xi32, #tpu.memory_space<vmem>>) semaphore(%arg22 : memref<!tpu.dma_semaphore, #tpu.memory_space<semaphore_mem>>)
    %scan3A = arith.constant 0 : i32
    %scan3A_60 = arith.constant 0 : i32
    %scan3A_61 = arith.constant 31 : i32
    %scan3A_62 = arith.addi %scan3A_60, %scan3A_61 : i32
    %scan3A_63 = arith.constant 1 : i32
    scf.for %scan3A_88 = %scan3A_60 to %scan3A_62 step %scan3A_63  : i32 {
      %mul3A_89 = arith.constant 4 : i32
      %mul3A_90 = arith.muli %mul3A_89, %scan3A_88 : i32
      %add3A_91 = arith.constant 0 : i32
      %add3A_92 = arith.addi %mul3A_90, %add3A_91 : i32
      %dma_wait3A_93 = arith.constant 0 : i32
      %dma_wait3A_94 = arith.constant 0 : i32
      %dma_wait3A_95 = tpu.memref_slice %arg2[%dma_wait3A_93, %dma_wait3A_94] : memref<10000x128xf32, #tpu.memory_space<hbm>> -> memref<10000x128xf32, #tpu.memory_space<hbm>>
      tpu.wait_indirect_dma semaphore(%arg20 : memref<!tpu.dma_semaphore, #tpu.memory_space<semaphore_mem>>) src(%dma_wait3A_95 : memref<10000x128xf32, #tpu.memory_space<hbm>>) dst(%arg15 : memref<80x128xf32, #tpu.memory_space<vmem>>)
      %dma_wait3A_96 = arith.constant 0 : i32
      %dma_wait3A_97 = tpu.memref_slice %arg3[%dma_wait3A_96] : memref<320000xi32, #tpu.memory_space<hbm>> -> memref<80xi32, #tpu.memory_space<hbm>>
      %dma_wait3A_98 = arith.constant 0 : i32
      %dma_wait3A_99 = tpu.memref_slice %arg3[%dma_wait3A_98] : memref<320000xi32, #tpu.memory_space<hbm>> -> memref<80xi32, #tpu.memory_space<hbm>>
      tpu.wait_dma2 semaphore(%arg27 : memref<!tpu.dma_semaphore, #tpu.memory_space<semaphore_mem>>) src(%dma_wait3A_99 : memref<80xi32, #tpu.memory_space<hbm>>) dst(%arg10 : memref<80xi32, #tpu.memory_space<vmem>>)
      %dma_wait3A_100 = arith.constant 0 : i32
      %dma_wait3A_101 = tpu.memref_slice %arg4[%dma_wait3A_100] : memref<320000xi32, #tpu.memory_space<hbm>> -> memref<80xi32, #tpu.memory_space<hbm>>
      %dma_wait3A_102 = arith.constant 0 : i32
      %dma_wait3A_103 = tpu.memref_slice %arg4[%dma_wait3A_102] : memref<320000xi32, #tpu.memory_space<hbm>> -> memref<80xi32, #tpu.memory_space<hbm>>
      tpu.wait_dma2 semaphore(%arg27 : memref<!tpu.dma_semaphore, #tpu.memory_space<semaphore_mem>>) src(%dma_wait3A_103 : memref<80xi32, #tpu.memory_space<hbm>>) dst(%arg14 : memref<80xi32, #tpu.memory_space<vmem>>)
      %dma_start3A_104 = arith.constant 0 : i32
      %dma_start3A_105 = arith.constant 0 : i32
      %dma_start3A_106 = tpu.memref_slice %arg2[%dma_start3A_104, %dma_start3A_105] : memref<10000x128xf32, #tpu.memory_space<hbm>> -> memref<10000x128xf32, #tpu.memory_space<hbm>>
      tpu.enqueue_indirect_dma source(%dma_start3A_106 : memref<10000x128xf32, #tpu.memory_space<hbm>>) target(%arg18 : memref<80x128xf32, #tpu.memory_space<vmem>>) offsets(%arg10 : memref<80xi32, #tpu.memory_space<vmem>>) semaphore(%arg23 : memref<!tpu.dma_semaphore, #tpu.memory_space<semaphore_mem>>)
      "tpu.region"() ({
        %run_scoped3A = tpu.sem_alloc : memref<!tpu.dma_semaphore, #tpu.memory_space<semaphore_mem>>
        %dma_start3A_198 = arith.constant 0 : i32
        %dma_start3A_199 = arith.constant 0 : i32
        %dma_start3A_200 = tpu.memref_slice %arg19[%dma_start3A_198, %dma_start3A_199] : memref<10112x128xf32, #tpu.memory_space<vmem_shared>> -> memref<10112x128xf32, #tpu.memory_space<vmem_shared>>
        tpu.enqueue_indirect_dma source(%arg15 : memref<80x128xf32, #tpu.memory_space<vmem>>) target(%dma_start3A_200 : memref<10112x128xf32, #tpu.memory_space<vmem_shared>>) offsets(%arg11 : memref<80xi32, #tpu.memory_space<vmem>>) semaphore(%run_scoped3A : memref<!tpu.dma_semaphore, #tpu.memory_space<semaphore_mem>>) {add = true}
        %dma_wait3A_201 = arith.constant 0 : i32
        %dma_wait3A_202 = arith.constant 0 : i32
        %dma_wait3A_203 = tpu.memref_slice %arg19[%dma_wait3A_201, %dma_wait3A_202] : memref<10112x128xf32, #tpu.memory_space<vmem_shared>> -> memref<10112x128xf32, #tpu.memory_space<vmem_shared>>
        tpu.wait_indirect_dma semaphore(%run_scoped3A : memref<!tpu.dma_semaphore, #tpu.memory_space<semaphore_mem>>) src(%arg15 : memref<80x128xf32, #tpu.memory_space<vmem>>) dst(%dma_wait3A_203 : memref<10112x128xf32, #tpu.memory_space<vmem_shared>>)
        tpu.yield
      }) : () -> ()
      %add3A_107 = arith.constant 4 : i32
      %add3A_108 = arith.addi %add3A_92, %add3A_107 : i32
      %min3A = arith.constant 124 : i32
      %min3A_109 = arith.minsi %add3A_108, %min3A : i32
      %mul3A_110 = arith.constant 80 : i32
      %mul3A_111 = arith.muli %min3A_109, %mul3A_110 : i32
      %add3A_112 = arith.addi %mul3A_2, %mul3A_111 : i32
      %dma_start3A_113 = tpu.memref_slice %arg3[%add3A_112] : memref<320000xi32, #tpu.memory_space<hbm>> -> memref<80xi32, #tpu.memory_space<hbm>>
      %dma_start3A_114 = tpu.memref_slice %arg3[%add3A_112] : memref<320000xi32, #tpu.memory_space<hbm>> -> memref<80xi32, #tpu.memory_space<hbm>>
      tpu.enqueue_dma source(%dma_start3A_114 : memref<80xi32, #tpu.memory_space<hbm>>) target(%arg7 : memref<80xi32, #tpu.memory_space<vmem>>) target_semaphore(%arg24 : memref<!tpu.dma_semaphore, #tpu.memory_space<semaphore_mem>>)
      %dma_start3A_115 = tpu.memref_slice %arg4[%add3A_112] : memref<320000xi32, #tpu.memory_space<hbm>> -> memref<80xi32, #tpu.memory_space<hbm>>
      %dma_start3A_116 = tpu.memref_slice %arg4[%add3A_112] : memref<320000xi32, #tpu.memory_space<hbm>> -> memref<80xi32, #tpu.memory_space<hbm>>
      tpu.enqueue_dma source(%dma_start3A_116 : memref<80xi32, #tpu.memory_space<hbm>>) target(%arg11 : memref<80xi32, #tpu.memory_space<vmem>>) target_semaphore(%arg24 : memref<!tpu.dma_semaphore, #tpu.memory_space<semaphore_mem>>)
      %add3A_117 = arith.constant 1 : i32
      %add3A_118 = arith.addi %mul3A_90, %add3A_117 : i32
      %dma_wait3A_119 = arith.constant 0 : i32
      %dma_wait3A_120 = arith.constant 0 : i32
      %dma_wait3A_121 = tpu.memref_slice %arg2[%dma_wait3A_119, %dma_wait3A_120] : memref<10000x128xf32, #tpu.memory_space<hbm>> -> memref<10000x128xf32, #tpu.memory_space<hbm>>
      tpu.wait_indirect_dma semaphore(%arg21 : memref<!tpu.dma_semaphore, #tpu.memory_space<semaphore_mem>>) src(%dma_wait3A_121 : memref<10000x128xf32, #tpu.memory_space<hbm>>) dst(%arg16 : memref<80x128xf32, #tpu.memory_space<vmem>>)
      %dma_wait3A_122 = arith.constant 0 : i32
      %dma_wait3A_123 = tpu.memref_slice %arg3[%dma_wait3A_122] : memref<320000xi32, #tpu.memory_space<hbm>> -> memref<80xi32, #tpu.memory_space<hbm>>
      %dma_wait3A_124 = arith.constant 0 : i32
      %dma_wait3A_125 = tpu.memref_slice %arg3[%dma_wait3A_124] : memref<320000xi32, #tpu.memory_space<hbm>> -> memref<80xi32, #tpu.memory_space<hbm>>
      tpu.wait_dma2 semaphore(%arg24 : memref<!tpu.dma_semaphore, #tpu.memory_space<semaphore_mem>>) src(%dma_wait3A_125 : memref<80xi32, #tpu.memory_space<hbm>>) dst(%arg7 : memref<80xi32, #tpu.memory_space<vmem>>)
      %dma_wait3A_126 = arith.constant 0 : i32
      %dma_wait3A_127 = tpu.memref_slice %arg4[%dma_wait3A_126] : memref<320000xi32, #tpu.memory_space<hbm>> -> memref<80xi32, #tpu.memory_space<hbm>>
      %dma_wait3A_128 = arith.constant 0 : i32
      %dma_wait3A_129 = tpu.memref_slice %arg4[%dma_wait3A_128] : memref<320000xi32, #tpu.memory_space<hbm>> -> memref<80xi32, #tpu.memory_space<hbm>>
      tpu.wait_dma2 semaphore(%arg24 : memref<!tpu.dma_semaphore, #tpu.memory_space<semaphore_mem>>) src(%dma_wait3A_129 : memref<80xi32, #tpu.memory_space<hbm>>) dst(%arg11 : memref<80xi32, #tpu.memory_space<vmem>>)
      %dma_start3A_130 = arith.constant 0 : i32
      %dma_start3A_131 = arith.constant 0 : i32
      %dma_start3A_132 = tpu.memref_slice %arg2[%dma_start3A_130, %dma_start3A_131] : memref<10000x128xf32, #tpu.memory_space<hbm>> -> memref<10000x128xf32, #tpu.memory_space<hbm>>
      tpu.enqueue_indirect_dma source(%dma_start3A_132 : memref<10000x128xf32, #tpu.memory_space<hbm>>) target(%arg15 : memref<80x128xf32, #tpu.memory_space<vmem>>) offsets(%arg7 : memref<80xi32, #tpu.memory_space<vmem>>) semaphore(%arg20 : memref<!tpu.dma_semaphore, #tpu.memory_space<semaphore_mem>>)
      "tpu.region"() ({
        %run_scoped3A = tpu.sem_alloc : memref<!tpu.dma_semaphore, #tpu.memory_space<semaphore_mem>>
        %dma_start3A_198 = arith.constant 0 : i32
        %dma_start3A_199 = arith.constant 0 : i32
        %dma_start3A_200 = tpu.memref_slice %arg19[%dma_start3A_198, %dma_start3A_199] : memref<10112x128xf32, #tpu.memory_space<vmem_shared>> -> memref<10112x128xf32, #tpu.memory_space<vmem_shared>>
        tpu.enqueue_indirect_dma source(%arg16 : memref<80x128xf32, #tpu.memory_space<vmem>>) target(%dma_start3A_200 : memref<10112x128xf32, #tpu.memory_space<vmem_shared>>) offsets(%arg12 : memref<80xi32, #tpu.memory_space<vmem>>) semaphore(%run_scoped3A : memref<!tpu.dma_semaphore, #tpu.memory_space<semaphore_mem>>) {add = true}
        %dma_wait3A_201 = arith.constant 0 : i32
        %dma_wait3A_202 = arith.constant 0 : i32
        %dma_wait3A_203 = tpu.memref_slice %arg19[%dma_wait3A_201, %dma_wait3A_202] : memref<10112x128xf32, #tpu.memory_space<vmem_shared>> -> memref<10112x128xf32, #tpu.memory_space<vmem_shared>>
        tpu.wait_indirect_dma semaphore(%run_scoped3A : memref<!tpu.dma_semaphore, #tpu.memory_space<semaphore_mem>>) src(%arg16 : memref<80x128xf32, #tpu.memory_space<vmem>>) dst(%dma_wait3A_203 : memref<10112x128xf32, #tpu.memory_space<vmem_shared>>)
        tpu.yield
      }) : () -> ()
      %add3A_133 = arith.constant 4 : i32
      %add3A_134 = arith.addi %add3A_118, %add3A_133 : i32
      %min3A_135 = arith.constant 124 : i32
      %min3A_136 = arith.minsi %add3A_134, %min3A_135 : i32
      %mul3A_137 = arith.constant 80 : i32
      %mul3A_138 = arith.muli %min3A_136, %mul3A_137 : i32
      %add3A_139 = arith.addi %mul3A_2, %mul3A_138 : i32
      %dma_start3A_140 = tpu.memref_slice %arg3[%add3A_139] : memref<320000xi32, #tpu.memory_space<hbm>> -> memref<80xi32, #tpu.memory_space<hbm>>
      %dma_start3A_141 = tpu.memref_slice %arg3[%add3A_139] : memref<320000xi32, #tpu.memory_space<hbm>> -> memref<80xi32, #tpu.memory_space<hbm>>
      tpu.enqueue_dma source(%dma_start3A_141 : memref<80xi32, #tpu.memory_space<hbm>>) target(%arg8 : memref<80xi32, #tpu.memory_space<vmem>>) target_semaphore(%arg25 : memref<!tpu.dma_semaphore, #tpu.memory_space<semaphore_mem>>)
      %dma_start3A_142 = tpu.memref_slice %arg4[%add3A_139] : memref<320000xi32, #tpu.memory_space<hbm>> -> memref<80xi32, #tpu.memory_space<hbm>>
      %dma_start3A_143 = tpu.memref_slice %arg4[%add3A_139] : memref<320000xi32, #tpu.memory_space<hbm>> -> memref<80xi32, #tpu.memory_space<hbm>>
      tpu.enqueue_dma source(%dma_start3A_143 : memref<80xi32, #tpu.memory_space<hbm>>) target(%arg12 : memref<80xi32, #tpu.memory_space<vmem>>) target_semaphore(%arg25 : memref<!tpu.dma_semaphore, #tpu.memory_space<semaphore_mem>>)
      %add3A_144 = arith.constant 2 : i32
      %add3A_145 = arith.addi %mul3A_90, %add3A_144 : i32
      %dma_wait3A_146 = arith.constant 0 : i32
      %dma_wait3A_147 = arith.constant 0 : i32
      %dma_wait3A_148 = tpu.memref_slice %arg2[%dma_wait3A_146, %dma_wait3A_147] : memref<10000x128xf32, #tpu.memory_space<hbm>> -> memref<10000x128xf32, #tpu.memory_space<hbm>>
      tpu.wait_indirect_dma semaphore(%arg22 : memref<!tpu.dma_semaphore, #tpu.memory_space<semaphore_mem>>) src(%dma_wait3A_148 : memref<10000x128xf32, #tpu.memory_space<hbm>>) dst(%arg17 : memref<80x128xf32, #tpu.memory_space<vmem>>)
      %dma_wait3A_149 = arith.constant 0 : i32
      %dma_wait3A_150 = tpu.memref_slice %arg3[%dma_wait3A_149] : memref<320000xi32, #tpu.memory_space<hbm>> -> memref<80xi32, #tpu.memory_space<hbm>>
      %dma_wait3A_151 = arith.constant 0 : i32
      %dma_wait3A_152 = tpu.memref_slice %arg3[%dma_wait3A_151] : memref<320000xi32, #tpu.memory_space<hbm>> -> memref<80xi32, #tpu.memory_space<hbm>>
      tpu.wait_dma2 semaphore(%arg25 : memref<!tpu.dma_semaphore, #tpu.memory_space<semaphore_mem>>) src(%dma_wait3A_152 : memref<80xi32, #tpu.memory_space<hbm>>) dst(%arg8 : memref<80xi32, #tpu.memory_space<vmem>>)
      %dma_wait3A_153 = arith.constant 0 : i32
      %dma_wait3A_154 = tpu.memref_slice %arg4[%dma_wait3A_153] : memref<320000xi32, #tpu.memory_space<hbm>> -> memref<80xi32, #tpu.memory_space<hbm>>
      %dma_wait3A_155 = arith.constant 0 : i32
      %dma_wait3A_156 = tpu.memref_slice %arg4[%dma_wait3A_155] : memref<320000xi32, #tpu.memory_space<hbm>> -> memref<80xi32, #tpu.memory_space<hbm>>
      tpu.wait_dma2 semaphore(%arg25 : memref<!tpu.dma_semaphore, #tpu.memory_space<semaphore_mem>>) src(%dma_wait3A_156 : memref<80xi32, #tpu.memory_space<hbm>>) dst(%arg12 : memref<80xi32, #tpu.memory_space<vmem>>)
      %dma_start3A_157 = arith.constant 0 : i32
      %dma_start3A_158 = arith.constant 0 : i32
      %dma_start3A_159 = tpu.memref_slice %arg2[%dma_start3A_157, %dma_start3A_158] : memref<10000x128xf32, #tpu.memory_space<hbm>> -> memref<10000x128xf32, #tpu.memory_space<hbm>>
      tpu.enqueue_indirect_dma source(%dma_start3A_159 : memref<10000x128xf32, #tpu.memory_space<hbm>>) target(%arg16 : memref<80x128xf32, #tpu.memory_space<vmem>>) offsets(%arg8 : memref<80xi32, #tpu.memory_space<vmem>>) semaphore(%arg21 : memref<!tpu.dma_semaphore, #tpu.memory_space<semaphore_mem>>)
      "tpu.region"() ({
        %run_scoped3A = tpu.sem_alloc : memref<!tpu.dma_semaphore, #tpu.memory_space<semaphore_mem>>
        %dma_start3A_198 = arith.constant 0 : i32
        %dma_start3A_199 = arith.constant 0 : i32
        %dma_start3A_200 = tpu.memref_slice %arg19[%dma_start3A_198, %dma_start3A_199] : memref<10112x128xf32, #tpu.memory_space<vmem_shared>> -> memref<10112x128xf32, #tpu.memory_space<vmem_shared>>
        tpu.enqueue_indirect_dma source(%arg17 : memref<80x128xf32, #tpu.memory_space<vmem>>) target(%dma_start3A_200 : memref<10112x128xf32, #tpu.memory_space<vmem_shared>>) offsets(%arg13 : memref<80xi32, #tpu.memory_space<vmem>>) semaphore(%run_scoped3A : memref<!tpu.dma_semaphore, #tpu.memory_space<semaphore_mem>>) {add = true}
        %dma_wait3A_201 = arith.constant 0 : i32
        %dma_wait3A_202 = arith.constant 0 : i32
        %dma_wait3A_203 = tpu.memref_slice %arg19[%dma_wait3A_201, %dma_wait3A_202] : memref<10112x128xf32, #tpu.memory_space<vmem_shared>> -> memref<10112x128xf32, #tpu.memory_space<vmem_shared>>
        tpu.wait_indirect_dma semaphore(%run_scoped3A : memref<!tpu.dma_semaphore, #tpu.memory_space<semaphore_mem>>) src(%arg17 : memref<80x128xf32, #tpu.memory_space<vmem>>) dst(%dma_wait3A_203 : memref<10112x128xf32, #tpu.memory_space<vmem_shared>>)
        tpu.yield
      }) : () -> ()
      %add3A_160 = arith.constant 4 : i32
      %add3A_161 = arith.addi %add3A_145, %add3A_160 : i32
      %min3A_162 = arith.constant 124 : i32
      %min3A_163 = arith.minsi %add3A_161, %min3A_162 : i32
      %mul3A_164 = arith.constant 80 : i32
      %mul3A_165 = arith.muli %min3A_163, %mul3A_164 : i32
      %add3A_166 = arith.addi %mul3A_2, %mul3A_165 : i32
      %dma_start3A_167 = tpu.memref_slice %arg3[%add3A_166] : memref<320000xi32, #tpu.memory_space<hbm>> -> memref<80xi32, #tpu.memory_space<hbm>>
      %dma_start3A_168 = tpu.memref_slice %arg3[%add3A_166] : memref<320000xi32, #tpu.memory_space<hbm>> -> memref<80xi32, #tpu.memory_space<hbm>>
      tpu.enqueue_dma source(%dma_start3A_168 : memref<80xi32, #tpu.memory_space<hbm>>) target(%arg9 : memref<80xi32, #tpu.memory_space<vmem>>) target_semaphore(%arg26 : memref<!tpu.dma_semaphore, #tpu.memory_space<semaphore_mem>>)
      %dma_start3A_169 = tpu.memref_slice %arg4[%add3A_166] : memref<320000xi32, #tpu.memory_space<hbm>> -> memref<80xi32, #tpu.memory_space<hbm>>
      %dma_start3A_170 = tpu.memref_slice %arg4[%add3A_166] : memref<320000xi32, #tpu.memory_space<hbm>> -> memref<80xi32, #tpu.memory_space<hbm>>
      tpu.enqueue_dma source(%dma_start3A_170 : memref<80xi32, #tpu.memory_space<hbm>>) target(%arg13 : memref<80xi32, #tpu.memory_space<vmem>>) target_semaphore(%arg26 : memref<!tpu.dma_semaphore, #tpu.memory_space<semaphore_mem>>)
      %add3A_171 = arith.constant 3 : i32
      %add3A_172 = arith.addi %mul3A_90, %add3A_171 : i32
      %dma_wait3A_173 = arith.constant 0 : i32
      %dma_wait3A_174 = arith.constant 0 : i32
      %dma_wait3A_175 = tpu.memref_slice %arg2[%dma_wait3A_173, %dma_wait3A_174] : memref<10000x128xf32, #tpu.memory_space<hbm>> -> memref<10000x128xf32, #tpu.memory_space<hbm>>
      tpu.wait_indirect_dma semaphore(%arg23 : memref<!tpu.dma_semaphore, #tpu.memory_space<semaphore_mem>>) src(%dma_wait3A_175 : memref<10000x128xf32, #tpu.memory_space<hbm>>) dst(%arg18 : memref<80x128xf32, #tpu.memory_space<vmem>>)
      %dma_wait3A_176 = arith.constant 0 : i32
      %dma_wait3A_177 = tpu.memref_slice %arg3[%dma_wait3A_176] : memref<320000xi32, #tpu.memory_space<hbm>> -> memref<80xi32, #tpu.memory_space<hbm>>
      %dma_wait3A_178 = arith.constant 0 : i32
      %dma_wait3A_179 = tpu.memref_slice %arg3[%dma_wait3A_178] : memref<320000xi32, #tpu.memory_space<hbm>> -> memref<80xi32, #tpu.memory_space<hbm>>
      tpu.wait_dma2 semaphore(%arg26 : memref<!tpu.dma_semaphore, #tpu.memory_space<semaphore_mem>>) src(%dma_wait3A_179 : memref<80xi32, #tpu.memory_space<hbm>>) dst(%arg9 : memref<80xi32, #tpu.memory_space<vmem>>)
      %dma_wait3A_180 = arith.constant 0 : i32
      %dma_wait3A_181 = tpu.memref_slice %arg4[%dma_wait3A_180] : memref<320000xi32, #tpu.memory_space<hbm>> -> memref<80xi32, #tpu.memory_space<hbm>>
      %dma_wait3A_182 = arith.constant 0 : i32
      %dma_wait3A_183 = tpu.memref_slice %arg4[%dma_wait3A_182] : memref<320000xi32, #tpu.memory_space<hbm>> -> memref<80xi32, #tpu.memory_space<hbm>>
      tpu.wait_dma2 semaphore(%arg26 : memref<!tpu.dma_semaphore, #tpu.memory_space<semaphore_mem>>) src(%dma_wait3A_183 : memref<80xi32, #tpu.memory_space<hbm>>) dst(%arg13 : memref<80xi32, #tpu.memory_space<vmem>>)
      %dma_start3A_184 = arith.constant 0 : i32
      %dma_start3A_185 = arith.constant 0 : i32
      %dma_start3A_186 = tpu.memref_slice %arg2[%dma_start3A_184, %dma_start3A_185] : memref<10000x128xf32, #tpu.memory_space<hbm>> -> memref<10000x128xf32, #tpu.memory_space<hbm>>
      tpu.enqueue_indirect_dma source(%dma_start3A_186 : memref<10000x128xf32, #tpu.memory_space<hbm>>) target(%arg17 : memref<80x128xf32, #tpu.memory_space<vmem>>) offsets(%arg9 : memref<80xi32, #tpu.memory_space<vmem>>) semaphore(%arg22 : memref<!tpu.dma_semaphore, #tpu.memory_space<semaphore_mem>>)
      "tpu.region"() ({
        %run_scoped3A = tpu.sem_alloc : memref<!tpu.dma_semaphore, #tpu.memory_space<semaphore_mem>>
        %dma_start3A_198 = arith.constant 0 : i32
        %dma_start3A_199 = arith.constant 0 : i32
        %dma_start3A_200 = tpu.memref_slice %arg19[%dma_start3A_198, %dma_start3A_199] : memref<10112x128xf32, #tpu.memory_space<vmem_shared>> -> memref<10112x128xf32, #tpu.memory_space<vmem_shared>>
        tpu.enqueue_indirect_dma source(%arg18 : memref<80x128xf32, #tpu.memory_space<vmem>>) target(%dma_start3A_200 : memref<10112x128xf32, #tpu.memory_space<vmem_shared>>) offsets(%arg14 : memref<80xi32, #tpu.memory_space<vmem>>) semaphore(%run_scoped3A : memref<!tpu.dma_semaphore, #tpu.memory_space<semaphore_mem>>) {add = true}
        %dma_wait3A_201 = arith.constant 0 : i32
        %dma_wait3A_202 = arith.constant 0 : i32
        %dma_wait3A_203 = tpu.memref_slice %arg19[%dma_wait3A_201, %dma_wait3A_202] : memref<10112x128xf32, #tpu.memory_space<vmem_shared>> -> memref<10112x128xf32, #tpu.memory_space<vmem_shared>>
        tpu.wait_indirect_dma semaphore(%run_scoped3A : memref<!tpu.dma_semaphore, #tpu.memory_space<semaphore_mem>>) src(%arg18 : memref<80x128xf32, #tpu.memory_space<vmem>>) dst(%dma_wait3A_203 : memref<10112x128xf32, #tpu.memory_space<vmem_shared>>)
        tpu.yield
      }) : () -> ()
      %add3A_187 = arith.constant 4 : i32
      %add3A_188 = arith.addi %add3A_172, %add3A_187 : i32
      %min3A_189 = arith.constant 124 : i32
      %min3A_190 = arith.minsi %add3A_188, %min3A_189 : i32
      %mul3A_191 = arith.constant 80 : i32
      %mul3A_192 = arith.muli %min3A_190, %mul3A_191 : i32
      %add3A_193 = arith.addi %mul3A_2, %mul3A_192 : i32
      %dma_start3A_194 = tpu.memref_slice %arg3[%add3A_193] : memref<320000xi32, #tpu.memory_space<hbm>> -> memref<80xi32, #tpu.memory_space<hbm>>
      %dma_start3A_195 = tpu.memref_slice %arg3[%add3A_193] : memref<320000xi32, #tpu.memory_space<hbm>> -> memref<80xi32, #tpu.memory_space<hbm>>
      tpu.enqueue_dma source(%dma_start3A_195 : memref<80xi32, #tpu.memory_space<hbm>>) target(%arg10 : memref<80xi32, #tpu.memory_space<vmem>>) target_semaphore(%arg27 : memref<!tpu.dma_semaphore, #tpu.memory_space<semaphore_mem>>)
      %dma_start3A_196 = tpu.memref_slice %arg4[%add3A_193] : memref<320000xi32, #tpu.memory_space<hbm>> -> memref<80xi32, #tpu.memory_space<hbm>>
      %dma_start3A_197 = tpu.memref_slice %arg4[%add3A_193] : memref<320000xi32, #tpu.memory_space<hbm>> -> memref<80xi32, #tpu.memory_space<hbm>>
      tpu.enqueue_dma source(%dma_start3A_197 : memref<80xi32, #tpu.memory_space<hbm>>) target(%arg14 : memref<80xi32, #tpu.memory_space<vmem>>) target_semaphore(%arg27 : memref<!tpu.dma_semaphore, #tpu.memory_space<semaphore_mem>>)
    }
    %scan3A_64 = arith.constant 31 : i32
    %dma_wait3A_65 = arith.constant 0 : i32
    %dma_wait3A_66 = arith.constant 0 : i32
    %dma_wait3A_67 = tpu.memref_slice %arg2[%dma_wait3A_65, %dma_wait3A_66] : memref<10000x128xf32, #tpu.memory_space<hbm>> -> memref<10000x128xf32, #tpu.memory_space<hbm>>
    tpu.wait_indirect_dma semaphore(%arg20 : memref<!tpu.dma_semaphore, #tpu.memory_space<semaphore_mem>>) src(%dma_wait3A_67 : memref<10000x128xf32, #tpu.memory_space<hbm>>) dst(%arg15 : memref<80x128xf32, #tpu.memory_space<vmem>>)
    "tpu.region"() ({
      %run_scoped3A = tpu.sem_alloc : memref<!tpu.dma_semaphore, #tpu.memory_space<semaphore_mem>>
      %dma_start3A_88 = arith.constant 0 : i32
      %dma_start3A_89 = arith.constant 0 : i32
      %dma_start3A_90 = tpu.memref_slice %arg19[%dma_start3A_88, %dma_start3A_89] : memref<10112x128xf32, #tpu.memory_space<vmem_shared>> -> memref<10112x128xf32, #tpu.memory_space<vmem_shared>>
      tpu.enqueue_indirect_dma source(%arg15 : memref<80x128xf32, #tpu.memory_space<vmem>>) target(%dma_start3A_90 : memref<10112x128xf32, #tpu.memory_space<vmem_shared>>) offsets(%arg11 : memref<80xi32, #tpu.memory_space<vmem>>) semaphore(%run_scoped3A : memref<!tpu.dma_semaphore, #tpu.memory_space<semaphore_mem>>) {add = true}
      %dma_wait3A_91 = arith.constant 0 : i32
      %dma_wait3A_92 = arith.constant 0 : i32
      %dma_wait3A_93 = tpu.memref_slice %arg19[%dma_wait3A_91, %dma_wait3A_92] : memref<10112x128xf32, #tpu.memory_space<vmem_shared>> -> memref<10112x128xf32, #tpu.memory_space<vmem_shared>>
      tpu.wait_indirect_dma semaphore(%run_scoped3A : memref<!tpu.dma_semaphore, #tpu.memory_space<semaphore_mem>>) src(%arg15 : memref<80x128xf32, #tpu.memory_space<vmem>>) dst(%dma_wait3A_93 : memref<10112x128xf32, #tpu.memory_space<vmem_shared>>)
      tpu.yield
    }) : () -> ()
    %dma_wait3A_68 = arith.constant 0 : i32
    %dma_wait3A_69 = arith.constant 0 : i32
    %dma_wait3A_70 = tpu.memref_slice %arg2[%dma_wait3A_68, %dma_wait3A_69] : memref<10000x128xf32, #tpu.memory_space<hbm>> -> memref<10000x128xf32, #tpu.memory_space<hbm>>
    tpu.wait_indirect_dma semaphore(%arg21 : memref<!tpu.dma_semaphore, #tpu.memory_space<semaphore_mem>>) src(%dma_wait3A_70 : memref<10000x128xf32, #tpu.memory_space<hbm>>) dst(%arg16 : memref<80x128xf32, #tpu.memory_space<vmem>>)
    %dma_wait3A_71 = arith.constant 0 : i32
    %dma_wait3A_72 = arith.constant 0 : i32
    %dma_wait3A_73 = tpu.memref_slice %arg2[%dma_wait3A_71, %dma_wait3A_72] : memref<10000x128xf32, #tpu.memory_space<hbm>> -> memref<10000x128xf32, #tpu.memory_space<hbm>>
    tpu.wait_indirect_dma semaphore(%arg22 : memref<!tpu.dma_semaphore, #tpu.memory_space<semaphore_mem>>) src(%dma_wait3A_73 : memref<10000x128xf32, #tpu.memory_space<hbm>>) dst(%arg17 : memref<80x128xf32, #tpu.memory_space<vmem>>)
    %dma_wait3A_74 = arith.constant 0 : i32
    %dma_wait3A_75 = tpu.memref_slice %arg3[%dma_wait3A_74] : memref<320000xi32, #tpu.memory_space<hbm>> -> memref<80xi32, #tpu.memory_space<hbm>>
    %dma_wait3A_76 = arith.constant 0 : i32
    %dma_wait3A_77 = tpu.memref_slice %arg3[%dma_wait3A_76] : memref<320000xi32, #tpu.memory_space<hbm>> -> memref<80xi32, #tpu.memory_space<hbm>>
    tpu.wait_dma2 semaphore(%arg27 : memref<!tpu.dma_semaphore, #tpu.memory_space<semaphore_mem>>) src(%dma_wait3A_77 : memref<80xi32, #tpu.memory_space<hbm>>) dst(%arg10 : memref<80xi32, #tpu.memory_space<vmem>>)
    %dma_wait3A_78 = arith.constant 0 : i32
    %dma_wait3A_79 = tpu.memref_slice %arg4[%dma_wait3A_78] : memref<320000xi32, #tpu.memory_space<hbm>> -> memref<80xi32, #tpu.memory_space<hbm>>
    %dma_wait3A_80 = arith.constant 0 : i32
    %dma_wait3A_81 = tpu.memref_slice %arg4[%dma_wait3A_80] : memref<320000xi32, #tpu.memory_space<hbm>> -> memref<80xi32, #tpu.memory_space<hbm>>
    tpu.wait_dma2 semaphore(%arg27 : memref<!tpu.dma_semaphore, #tpu.memory_space<semaphore_mem>>) src(%dma_wait3A_81 : memref<80xi32, #tpu.memory_space<hbm>>) dst(%arg14 : memref<80xi32, #tpu.memory_space<vmem>>)
    %barrier3A_82 = arith.constant 0 : index
    tpu.barrier barrier_id(%barrier3A_82)
    %eq3A_83 = arith.constant 0 : i32
    %eq3A_84 = arith.cmpi eq, %arg1, %eq3A_83 : i32
    %convert_element_type3A_85 = arith.extui %eq3A_84 : i1 to i32
    %cond3A_86 = arith.constant 0 : i32
    %cond3A_87 = arith.cmpi ne, %convert_element_type3A_85, %cond3A_86 : i32
    scf.if %cond3A_87 {
      "tpu.region"() ({
        %run_scoped3A = tpu.sem_alloc : memref<!tpu.dma_semaphore, #tpu.memory_space<semaphore_mem>>
        %dma_start3A_88 = arith.constant 0 : i32
        %dma_start3A_89 = arith.constant 0 : i32
        %dma_start3A_90 = tpu.memref_slice %arg6[%arg0, %dma_start3A_88, %dma_start3A_89] : memref<2x10112x128xf32, #tpu.memory_space<hbm>> -> memref<1x10112x128xf32, #tpu.memory_space<hbm>>
        %dma_start3A_91 = tpu.memref_squeeze %dma_start3A_90 : memref<1x10112x128xf32, #tpu.memory_space<hbm>> -> memref<10112x128xf32, #tpu.memory_space<hbm>>
        tpu.enqueue_dma source(%arg19 : memref<10112x128xf32, #tpu.memory_space<vmem_shared>>) target(%dma_start3A_91 : memref<10112x128xf32, #tpu.memory_space<hbm>>) target_semaphore(%run_scoped3A : memref<!tpu.dma_semaphore, #tpu.memory_space<semaphore_mem>>)
        %dma_wait3A_92 = arith.constant 0 : i32
        %dma_wait3A_93 = arith.constant 0 : i32
        %dma_wait3A_94 = tpu.memref_slice %arg6[%arg0, %dma_wait3A_92, %dma_wait3A_93] : memref<2x10112x128xf32, #tpu.memory_space<hbm>> -> memref<1x10112x128xf32, #tpu.memory_space<hbm>>
        %dma_wait3A_95 = tpu.memref_squeeze %dma_wait3A_94 : memref<1x10112x128xf32, #tpu.memory_space<hbm>> -> memref<10112x128xf32, #tpu.memory_space<hbm>>
        tpu.wait_dma2 semaphore(%run_scoped3A : memref<!tpu.dma_semaphore, #tpu.memory_space<semaphore_mem>>) src(%arg19 : memref<10112x128xf32, #tpu.memory_space<vmem_shared>>) dst(%dma_wait3A_95 : memref<10112x128xf32, #tpu.memory_space<hbm>>)
        tpu.yield
      }) : () -> ()
    } else {
    }
    return
  }
}

module attributes {stable_mosaic.version = 14 : i64} {
  func.func @body(%arg0: i32, %arg1: memref<2x1000x128xf32, #tpu.memory_space<vmem>>, %arg2: memref<2x1000x8xf32, #tpu.memory_space<vmem>>, %arg3: memref<1000x128xf32, #tpu.memory_space<vmem>>, %arg4: memref<128x128xf32, #tpu.memory_space<vmem>>, %arg5: memref<128x128xf32, #tpu.memory_space<vmem>>, %arg6: memref<1x128xf32, #tpu.memory_space<vmem>>, %arg7: memref<1000x128xf32, #tpu.memory_space<vmem>>) attributes {dimension_semantics = [#tpu.dimension_semantics<arbitrary>], iteration_bounds = array<i64: 10>, scalar_prefetch = 0 : i64, scratch_operands = 0 : i64, tpu.core_type = #tpu.core_type<tc>, window_params = [{transform_indices = @transform_0, window_bounds = array<i64: 2, 1000, 128>}, {transform_indices = @transform_1, window_bounds = array<i64: 2, 1000, 8>}, {transform_indices = @transform_2, window_bounds = array<i64: 1000, 128>}, {pipeline_mode = #tpu.pipeline_mode<synchronous>, transform_indices = @transform_3, window_bounds = array<i64: 128, 128>}, {pipeline_mode = #tpu.pipeline_mode<synchronous>, transform_indices = @transform_4, window_bounds = array<i64: 128, 128>}, {pipeline_mode = #tpu.pipeline_mode<synchronous>, transform_indices = @transform_5, window_bounds = array<i64: 1, 128>}, {transform_indices = @transform_6, window_bounds = array<i64: 1000, 128>}]} {
    %get3A = arith.constant 0 : index
    %get3A_0 = arith.constant 0 : index
    %get3A_1 = arith.constant 0 : index
    %get3A_2 = vector.load %arg1[%get3A, %get3A_0, %get3A_1] : memref<2x1000x128xf32, #tpu.memory_space<vmem>>, vector<1x1000x128xf32>
    %get3A_3 = vector.shape_cast %get3A_2 : vector<1x1000x128xf32> to vector<1000x128xf32>
    %get3A_4 = arith.constant 1 : index
    %get3A_5 = arith.constant 0 : index
    %get3A_6 = arith.constant 0 : index
    %get3A_7 = vector.load %arg1[%get3A_4, %get3A_5, %get3A_6] : memref<2x1000x128xf32, #tpu.memory_space<vmem>>, vector<1x1000x128xf32>
    %get3A_8 = vector.shape_cast %get3A_7 : vector<1x1000x128xf32> to vector<1000x128xf32>
    %add3A = arith.addf %get3A_3, %get3A_8 : vector<1000x128xf32>
    %get3A_9 = arith.constant 0 : index
    %get3A_10 = arith.constant 0 : index
    %get3A_11 = arith.constant 0 : index
    %get3A_12 = vector.load %arg2[%get3A_9, %get3A_10, %get3A_11] : memref<2x1000x8xf32, #tpu.memory_space<vmem>>, vector<1x1000x1xf32>
    %get3A_13 = vector.shape_cast %get3A_12 : vector<1x1000x1xf32> to vector<1000x1xf32>
    %get3A_14 = arith.constant 1 : index
    %get3A_15 = arith.constant 0 : index
    %get3A_16 = arith.constant 0 : index
    %get3A_17 = vector.load %arg2[%get3A_14, %get3A_15, %get3A_16] : memref<2x1000x8xf32, #tpu.memory_space<vmem>>, vector<1x1000x1xf32>
    %get3A_18 = vector.shape_cast %get3A_17 : vector<1x1000x1xf32> to vector<1000x1xf32>
    %add3A_19 = arith.addf %get3A_13, %get3A_18 : vector<1000x1xf32>
    %max3A = arith.constant 1.000000e+00 : f32
    %max3A_20 = vector.broadcast %max3A : f32 to vector<1000x1xf32>
    %max3A_21 = arith.maximumf %add3A_19, %max3A_20 : vector<1000x1xf32>
    %div3A = vector.broadcast %max3A_21 : vector<1000x1xf32> to vector<1000x128xf32>
    %div3A_22 = arith.divf %add3A, %div3A : vector<1000x128xf32>
    %get3A_23 = arith.constant 0 : index
    %get3A_24 = arith.constant 0 : index
    %get3A_25 = vector.load %arg4[%get3A_23, %get3A_24] : memref<128x128xf32, #tpu.memory_space<vmem>>, vector<128x128xf32>
    %dot_general3A = arith.constant dense<0.000000e+00> : vector<1000x128xf32>
    %dot_general3A_26 = tpu.matmul %div3A_22, %get3A_25, %dot_general3A {dimension_numbers = #tpu.dot_dimension_numbers<[1], [0], [0], [1], [0, 0, 1, 1], [], []>, transpose_lhs_hint = false} : vector<1000x128xf32>, vector<128x128xf32>, vector<1000x128xf32> -> vector<1000x128xf32>
    %get3A_27 = arith.constant 0 : index
    %get3A_28 = arith.constant 0 : index
    %get3A_29 = vector.load %arg3[%get3A_27, %get3A_28] : memref<1000x128xf32, #tpu.memory_space<vmem>>, vector<1000x128xf32>
    %get3A_30 = arith.constant 0 : index
    %get3A_31 = arith.constant 0 : index
    %get3A_32 = vector.load %arg5[%get3A_30, %get3A_31] : memref<128x128xf32, #tpu.memory_space<vmem>>, vector<128x128xf32>
    %dot_general3A_33 = arith.constant dense<0.000000e+00> : vector<1000x128xf32>
    %dot_general3A_34 = tpu.matmul %get3A_29, %get3A_32, %dot_general3A_33 {dimension_numbers = #tpu.dot_dimension_numbers<[1], [0], [0], [1], [0, 0, 1, 1], [], []>, transpose_lhs_hint = false} : vector<1000x128xf32>, vector<128x128xf32>, vector<1000x128xf32> -> vector<1000x128xf32>
    %add3A_35 = arith.addf %dot_general3A_26, %dot_general3A_34 : vector<1000x128xf32>
    %get3A_36 = arith.constant 0 : index
    %get3A_37 = arith.constant 0 : index
    %get3A_38 = vector.load %arg6[%get3A_36, %get3A_37] : memref<1x128xf32, #tpu.memory_space<vmem>>, vector<1x128xf32>
    %add3A_39 = vector.broadcast %get3A_38 : vector<1x128xf32> to vector<1000x128xf32>
    %add3A_40 = arith.addf %add3A_35, %add3A_39 : vector<1000x128xf32>
    %swap3A = arith.constant 0 : index
    %swap3A_41 = arith.constant 0 : index
    %swap3A_42 = vector.load %arg7[%swap3A, %swap3A_41] : memref<1000x128xf32, #tpu.memory_space<vmem>>, vector<1000x128xf32>
    tpu.vector_store %arg7[%swap3A, %swap3A_41], %add3A_40 {strides = array<i32>} : memref<1000x128xf32, #tpu.memory_space<vmem>>, vector<1000x128xf32>,
    return
  }
  func.func @transform_0(%arg0: i32) -> (i32, i32, i32) {
    %c0_i32 = arith.constant 0 : i32
    %c0_i32_0 = arith.constant 0 : i32
    %c0_i32_1 = arith.constant 0 : i32
    return %c0_i32, %arg0, %c0_i32_0 : i32, i32, i32
  }
  func.func @transform_1(%arg0: i32) -> (i32, i32, i32) {
    %c0_i32 = arith.constant 0 : i32
    %c0_i32_0 = arith.constant 0 : i32
    %c0_i32_1 = arith.constant 0 : i32
    return %c0_i32, %arg0, %c0_i32_0 : i32, i32, i32
  }
  func.func @transform_2(%arg0: i32) -> (i32, i32) {
    %c0_i32 = arith.constant 0 : i32
    %c0_i32_0 = arith.constant 0 : i32
    return %arg0, %c0_i32 : i32, i32
  }
  func.func @transform_3(%arg0: i32) -> (i32, i32) {
    %c0_i32 = arith.constant 0 : i32
    %c0_i32_0 = arith.constant 0 : i32
    %c0_i32_1 = arith.constant 0 : i32
    return %c0_i32, %c0_i32_0 : i32, i32
  }
  func.func @transform_4(%arg0: i32) -> (i32, i32) {
    %c0_i32 = arith.constant 0 : i32
    %c0_i32_0 = arith.constant 0 : i32
    %c0_i32_1 = arith.constant 0 : i32
    return %c0_i32, %c0_i32_0 : i32, i32
  }
  func.func @transform_5(%arg0: i32) -> (i32, i32) {
    %c0_i32 = arith.constant 0 : i32
    %c0_i32_0 = arith.constant 0 : i32
    %c0_i32_1 = arith.constant 0 : i32
    return %c0_i32, %c0_i32_0 : i32, i32
  }
  func.func @transform_6(%arg0: i32) -> (i32, i32) {
    %c0_i32 = arith.constant 0 : i32
    %c0_i32_0 = arith.constant 0 : i32
    return %arg0, %c0_i32 : i32, i32
  }
}

</mosaic_0001>

<sc_bundles>
// kernel: _run.5.cloned.1.call-start
scs
__scs_entry_jumppad:
0x0: {  	(pc) =	sbr.rel $0x88, $3  }
0x1: {  	(tag) =	ssettag $0x0;
	lr =	simm.s32 $0x1  }
0x2: {  	[smem:$0x3F9C] =	sst lr;
	_ =	strace $0xD0000000  }
0x3: {  	_ = 	snop  }
0x4: {  	_ = 	snop  }
0x5: {  	_ = 	snop  }
0x6: {  	_ = 	snop  }
0x7: {  	_ = 	snop  }
__scs_overlays_trampoline_lowered:
0x8: {  	[smem:$0x3FAB] =	sst s0  }
0x9: {  	[smem:$0x3FAC] =	sst s1  }
0xa: {  	[smem:$0x3FAD] =	sst s2  }
0xb: {  	[smem:$0x3FAE] =	sst s3  }
0xc: {  	[smem:$0x3FAF] =	sst s4  }
0xd: {  	[smem:$0x3FB0] =	sst s5  }
0xe: {  	[smem:$0x3FB1] =	sst s6  }
0xf: {  	[smem:$0x3FB2] =	sst s7  }
0x10: {  	[smem:$0x3FB3] =	sst s8  }
0x11: {  	[smem:$0x3FB4] =	sst s9;
	s0 =	simm.s32 @!p0 $0x0  }
0x12: {  	s1 =	sld [smem:$0x3F9A];
	s0 =	simm.s32 @p0 $0x1  }
0x13: {  	[smem:$0x3FB5] =	sst s0;
	s0 =	simm.s32 @!p1 $0x0  }
0x14: {  	s2 =	sld [smem:$0x3F99];
	s0 =	simm.s32 @p1 $0x1  }
0x15: {  	[smem:$0x3FB6] =	sst s0;
	s0 =	simm.s32 @!p2 $0x0  }
0x16: {  	s3 =	sld [smem:$0x3FDB];
	s0 =	simm.s32 @p2 $0x1  }
0x17: {  	s4 =	simm.s32 $0x1BF5;
	[smem:$0x3FB8] =	sst s0  }
0x18: {  	s0 =	sld [smem:$0x3F9B];
	_ =	swait.ge [sflag:s4], $0x0  }
0x19: {  	s7 =	sld [smem:$0x3F9C]  }
0x1a: {  	s8 =	sadd.s32 $0xFFFFE003, lr  }
0x1b: {  	s9 =	sadd.s32 $0xFFFFFEF7, lr;
	s5 =	simm.s32 $0xFFFFFFFF;
	p2 =	slt.u32 s8, $0xFFFFF086  }
0x1c: {  	p1 =	slt.u32 s9, $0xF7A;
	s5 =	simm.s32 @!p2 $0x0  }
0x1d: {  	s5 =	simm.s32 @p1 $0x1;
	p0 =	seq.s32 s7, s2  }
0x1e: {  	s7 =	smul.u32 @!p0 $0xF7A, s2;
	p2 =	seq.s32 @!p0 s5, $0x0  }
0x1f: {  	s9 =	smul.u32 $0xF7A, s1;
	s8 =	simm.s32 @!p0 $0x1BF5;
	p2 =	por !p2, p0  }
0x20: {  	[sflag:s8] =	ssyncset.s32 @!p0 $0xFFFFF086;
	s6 =	sadd.s32 @!p0 s3, s7;
	s7 =	simm.s32 @!p0 $0x108  }
0x21: {  	s3 =	sadd.s32 s3, s9;
	s6 =	sadd.s32 @!p0 $0x88, s6;
	s7 =	simm.s32 @p2 $0x1082  }
0x22: {  	[simem:s7], [sflag:s8] =	dma.local @!p0 [hbm:s6], $0xF7A  }
0x23: {  	s9 =	sor.u32 $0xD0000000, s2;
	s6 =	simm.s32 $0x108;
	_ =	swait.ge @!p0 [sflag:s8], $0x0  }
0x24: {  	s3 =	sadd.s32 $0x88, s3;
	s6 =	simm.s32 @!p1 $0x1082;
	[sflag:s4] =	ssyncset.s32 $0xFFFFF086  }
0x25: {  	[simem:s6], [sflag:s4] =	dma.local [hbm:s3], $0xF7A  }
0x26: {  	[smem:$0x3F9C] =	sst s1;
	(tag) =	ssettag s2;
	_ =	strace s9  }
0x27: {  	s1 =	sld [smem:$0x3FAC]  }
0x28: {  	s2 =	sld [smem:$0x3FAD]  }
0x29: {  	s4 =	sld [smem:$0x3FAF]  }
0x2a: {  	p0 =	seq.s32 s5, $0x0;
	s5 =	sld [smem:$0x3FB0]  }
0x2b: {  	s6 =	sld [smem:$0x3FB1]  }
0x2c: {  	s7 =	sld [smem:$0x3FB2]  }
0x2d: {  	s3 =	simm.s32 $0x108;
	s8 =	sld [smem:$0x3FB3]  }
0x2e: {  	s3 =	simm.s32 @!p0 $0x1082;
	s9 =	sld [smem:$0x3FB4]  }
0x2f: {  	lr =	sadd.s32 s0, s3;
	s0 =	sld [smem:$0x3FAB]  }
0x30: {  	s3 =	sld [smem:$0x3FAE]  }
0x31: {  	[smem:$0x3FB7] =	sst s10  }
0x32: {  	s10 =	sld [smem:$0x3FB5];
	_ =	sdelay $0x3  }
0x33: {  	p0 =	seq.s32 s10, $0x1;
	s10 =	sld [smem:$0x3FB7];
	_ =	sdelay $0x3  }
0x34: {  	[smem:$0x3FB7] =	sst s10  }
0x35: {  	s10 =	sld [smem:$0x3FB6];
	_ =	sdelay $0x3  }
0x36: {  	p1 =	seq.s32 s10, $0x1;
	s10 =	sld [smem:$0x3FB7];
	_ =	sdelay $0x3  }
0x37: {  	[smem:$0x3FB7] =	sst s10  }
0x38: {  	s10 =	sld [smem:$0x3FB8]  }
0x39: {  	_ = 	snop;
	(pc) =	sbr.ind lr, $3  }
0x3a: {  	_ = 	snop  }
0x3b: {  	_ = 	snop  }
0x3c: {  	p2 =	seq.s32 s10, $0x1;
	s10 =	sld [smem:$0x3FB7]  }
0x3d: {  	_ =	shalt  }
0x3e: {  	_ =	shalt  }
0x3f: {  	_ =	shalt  }
0x40: {  	_ =	shalt  }
0x41: {  	_ =	shalt  }
0x42: {  	_ =	shalt  }
0x43: {  	_ =	shalt  }
0x44: {  	_ =	shalt  }
0x45: {  	_ =	shalt  }
0x46: {  	_ =	shalt  }
0x47: {  	_ =	shalt  }
0x48: {  	_ =	shalt  }
0x49: {  	_ =	shalt  }
0x4a: {  	_ =	shalt  }
0x4b: {  	_ =	shalt  }
0x4c: {  	_ =	shalt  }
0x4d: {  	_ =	shalt  }
0x4e: {  	_ =	shalt  }
0x4f: {  	_ =	shalt  }
0x50: {  	_ =	shalt  }
0x51: {  	_ =	shalt  }
0x52: {  	_ =	shalt  }
0x53: {  	_ =	shalt  }
0x54: {  	_ =	shalt  }
0x55: {  	_ =	shalt  }
0x56: {  	_ =	shalt  }
0x57: {  	_ =	shalt  }
0x58: {  	_ =	shalt  }
0x59: {  	_ =	shalt  }
0x5a: {  	_ =	shalt  }
0x5b: {  	_ =	shalt  }
0x5c: {  	_ =	shalt  }
0x5d: {  	_ =	shalt  }
0x5e: {  	_ =	shalt  }
0x5f: {  	_ =	shalt  }
0x60: {  	_ =	shalt  }
0x61: {  	_ =	shalt  }
0x62: {  	_ =	shalt  }
0x63: {  	_ =	shalt  }
0x64: {  	_ =	shalt  }
0x65: {  	_ =	shalt  }
0x66: {  	_ =	shalt  }
0x67: {  	_ =	shalt  }
0x68: {  	_ =	shalt  }
0x69: {  	_ =	shalt  }
0x6a: {  	_ =	shalt  }
0x6b: {  	_ =	shalt  }
0x6c: {  	_ =	shalt  }
0x6d: {  	_ =	shalt  }
0x6e: {  	_ =	shalt  }
0x6f: {  	_ =	shalt  }
0x70: {  	_ =	shalt  }
0x71: {  	_ =	shalt  }
0x72: {  	_ =	shalt  }
0x73: {  	_ =	shalt  }
0x74: {  	_ =	shalt  }
0x75: {  	_ =	shalt  }
0x76: {  	_ =	shalt  }
0x77: {  	_ =	shalt  }
0x78: {  	_ =	shalt  }
0x79: {  	_ =	shalt  }
0x7a: {  	_ =	shalt  }
0x7b: {  	_ =	shalt  }
0x7c: {  	_ =	shalt  }
0x7d: {  	_ =	shalt  }
0x7e: {  	_ =	shalt  }
0x7f: {  	_ =	shalt  }
0x80: {  	_ =	shalt  }
0x81: {  	_ =	shalt  }
0x82: {  	_ =	shalt  }
0x83: {  	_ =	shalt  }
0x84: {  	_ =	shalt  }
0x85: {  	_ =	shalt  }
0x86: {  	_ =	shalt  }
0x87: {  	_ =	shalt  }
.Lfunc_end0:
.L_simem_size_0:
called_computation_lowered:
.L_overlay_start_0:
0x88: {  	s2 =	sld [smem:$0x3FD9]  }
0x89: {  	s3 =	sld [smem:$0x3FFE];
	_ =	sdelay $0x1  }
0x8a: {  	s1 =	srdreg.scid  }
0x8b: {  	s0 =	sand.u32 $0x1, s1  }
0x8c: {  	s17 =	sshll.u32 s0, $0xA;
	s2 =	sadd.s32 s3, s2  }
0x8d: {  	s2 =	sadd.s32 s2, s17  }
0x8e: {  	[smem:$0x3FC3] =	sst s2  }
0x8f: {  	_ = 	snop  }
0x90: {  	s2 =	sld [smem:$0x3FC9]  }
0x91: {  	s18 =	sld [smem:$0x3FD0];
	(tm) =	ssettm $0x1  }
0x92: {  	s4 =	sld [smem:$0x3FFB];
	_ =	sdelay $0x3  }
0x93: {  	_ =	strace s4  }
0x94: {  	s4 =	sld [smem:$0x3FFC];
	_ =	sdelay $0x3  }
0x95: {  	_ =	strace s4  }
0x96: {  	s4 =	sld [smem:$0x3FFD];
	_ =	sdelay $0x3  }
0x97: {  	_ =	strace s4  }
0x98: {  	_ =	strace $0x8FFFFFFF  }
0x99: {  	s19 =	sld [smem:$0x3FDB];
	_ =	sdelay $0x1  }
0x9a: {  	s5 =	simm.s32 $_scs_section_size  }
0x9b: {  	s6 =	simm.s32 $_size__tile_overlayer_lowered;
	s7 =	simm.s32 $_tile_overlayer_lowered  }
0x9c: {  	s22 =	simm.s32 $0x1BFF;
	s21 =	sshll.u32 s7, $0x1;
	s4 =	sadd.s32 s5, s19  }
0x9d: {  	s8 =	simm.s32 $0x0;
	s20 =	sshll.u32 s6, $0x1;
	s6 =	sadd.s32 s21, s4  }
0x9e: {  	[timem:s8], [sflag:s22] =	dma.local [hbm:s6], s20  }
0x9f: {  	_ =	swait.ge [sflag:s22], s20  }
0xa0: {  	s5 =	ssub.s32 $0x0, s20;
	[sflag:s22] =	ssyncset.done $0x0  }
0xa1: {  	[sflag:s22] =	ssyncadd.s32 s5;
	_ =	sdelay $0x1  }
0xa2: {  	s23 =	simm.s32 $0x1B8B  }
0xa3: {  	_ =	swait.ge [sflag:s23], $0x1  }
0xa4: {  	[sflag:s23] =	ssyncset.done $0x0  }
0xa5: {  	s25 =	simm.s32 $0x1B8E;
	s24 =	sld [smem:$0x3FFE];
	[sflag:s23] =	ssyncadd.s32 $0xFFFFFFFF  }
0xa6: {  	s26 =	simm.s32 $execute0_lowered;
	[smem:$0x3FD2] =	sst s25  }
0xa7: {  	s6 =	sshll.u32 s26, $0x1;
	_ =	strace $0x80000046;
	[dreg:$0x1] =	wrdreg $0xFFFFFFFF  }
0xa8: {  	s28 =	simm.s32 $_size_execute0_lowered;
	s4 =	sadd.s32 s4, s6;
	[dreg:$0x0] =	wrdreg $0x0  }
0xa9: {  	s6 =	sshll.u32 s28, $0x1;
	[dreg:$0x2] =	wrdreg s4  }
0xaa: {  	[dreg:$0x3] =	wrdreg s6  }
0xab: {  	[dreg:$0x4] =	wrdreg $0xC0  }
0xac: {  	_ =	task [dreg:s8], $0x5FFFF  }
0xad: {  	[dreg:$0x1] =	wrdreg $0xFFFFFFFF  }
0xae: {  	[dreg:$0x0] =	wrdreg $0x60  }
0xaf: {  	[dreg:$0x2] =	wrdreg s2  }
0xb0: {  	[dreg:$0x3] =	wrdreg s24  }
0xb1: {  	[dreg:$0x4] =	wrdreg s18  }
0xb2: {  	[dreg:$0x5] =	wrdreg $0xA4000  }
0xb3: {  	[dreg:$0x6] =	wrdreg $0x9  }
0xb4: {  	_ =	task.clear_ibuf [dreg:s8], $0x7FFFF;
	_ =	strace $0x90000046  }
0xb5: {  	s29 =	simm.s32 $0x9;
	_ =	strace $0x80000048  }
0xb6: {  	_ =	swait.ge [sflag:s29], $0x1  }
0xb7: {  	[sflag:s29] =	ssyncadd.s32 $0xFFFFFFFF  }
0xb8: {  	_ =	strace $0x90000048  }
0xb9: {  	_ =	sfence  }
0xba: {  	s30 =	sld [smem:$0x0];
	_ =	sdelay $0x2  }
0xbb: {  	s31 =	sshll.u32 s1, $0xD;
	s1 =	sshrl.u32 s1, $0x2  }
0xbc: {  	s3 =	sand.u32 $0x4000, s31;
	s1 =	sadd.s32 s1, s30  }
0xbd: {  	s0 =	sor.u32 s3, s0;
	s1 =	sshll.u32 s1, $0x11  }
0xbe: {  	s0 =	sor.u32 s1, s0  }
0xbf: {  	s0 =	sadd.s32 $0x8F2B, s0  }
0xc0: {  	[sflag:s0] =	ssyncadd.remote.s32 $0x1  }
0xc1: {  	_ =	sfence.sel $0xFFFF  }
0xc2: {  	[dreg:$0x0] =	wrdreg $0xFFFFFFFF;
	(pc) =	sbr.abs _section_cstart, $3  }
0xc3: {  	[dreg:$0x1] =	wrdreg $0xFFFFFFFF  }
0xc4: {  	_ =	task.clear_ibuf [dreg:s8], $0x2FFFF;
	_ =	strace $0x9FFFFFFF  }
0xc5: {  	(tm) =	ssettm $0x7FFFFFFF  }
tec
execute0_lowered:
.L_overlay_start_1:
0x0: {  	(tag) =	ssettag $0x1  }
0x1: {  	s1 =	rddreg [dreg:$0x0]  }
0x2: {  	s0 =	rddreg [dreg:$0x1]  }
0x3: {  	s2 =	rddreg [dreg:$0x2]  }
0x4: {  	s3 =	rddreg [dreg:$0x3]  }
0x5: {  	s4 =	srdreg.scid;
	s7 =	stileid.u32  }
0x6: {  	s28 =	simm.s32 $0x50;
	s29 =	simm.s32 $0x400;
	s30 =	simm.s32 $0x6  }
0x7: {  	s31 =	simm.s32 $0x2C00;
	s6 =	sand.u32 $0x1, s4;
	s4 =	simm.s32 $0x0  }
0x8: {  	s10 =	sadd.s32 $0xAE00, s0;
	s24 =	smul.u32 $0x2710, s7;
	p0 =	sne.s32 s7, $0x0  }
0x9: {  	s5 =	sshll.u32 s6, $0x4;
	[smem:$0x7FF] =	sst s4;
	s8 =	smul.u32 $0x27800, s6  }
0xa: {  	s12 =	ssub.s32 $0x2, s6;
	s6 =	smul.u32 $0x27100, s6;
	s5 =	sor.u32 s7, s5  }
0xb: {  	_ =	strace $0x80000047;
	[dreg:$0x8] =	wrdreg s10;
	s13 =	sshrl.u32 s12, $0x1  }
0xc: {  	s7 =	simm.s32 $0x1;
	s9 =	smul.u32 $0x2710, s5;
	s5 =	sadd.s32 $0x1000, s0  }
0xd: {  	s0 =	sadd.s32 s8, s0;
	s8 =	ssub.s32 s12, s13;
	s26 =	sadd.s32 s24, s6  }
0xe: {  	s24 =	simm.s32 $0x180;
	s6 =	simm.s32 $0x5400;
	s13 =	simm.s32 $0x4  }
0xf: {  	s0 =	sadd.s32 $0x32600, s0;
	s25 =	smax.u32 s8, $0x1;
	s8 =	simm.s32 $0x8  }
0x10: {  	s11 =	sshrl.u32 s9, $0x3;
	s22 =	sadd.s32 $0x190, s9;
	[dreg:$0x11] =	wrdreg s0  }
0x11: {  	s23 =	sadd.s32 $0x1E0, s9;
	s9 =	sadd.s32 $0x230, s9;
	[dreg:$0x12] =	wrdreg s25  }
0x12: {  	s0 =	sadd.s32 $0x140, s26;
	s25 =	simm.s32 $0x380;
	[dreg:$0x5] =	wrdreg s22  }
0x13: {  	s26 =	simm.s32 $0x5;
	s14 =	sadd.s32 s5, s11;
	[dreg:$0x6] =	wrdreg s23  }
0x14: {  	s15 =	sadd.s32 $0xA, s11;
	s12 =	sadd.s32 s2, s11;
	[dreg:$0x7] =	wrdreg s9  }
0x15: {  	s17 =	sadd.s32 $0x14, s11;
	s19 =	sadd.s32 $0x1E, s11;
	[dreg:$0x13] =	wrdreg s0  }
0x16: {  	s22 =	simm.s32 $0x100;
	s23 =	simm.s32 $0x300;
	[dreg:$0x9] =	wrdreg s14  }
0x17: {  	s0 =	simm.s32 $0x7;
	[dreg:$0xa] =	wrdreg s12;
	s16 =	sadd.s32 s5, s15  }
0x18: {  	s9 =	simm.s32 $0x7C00;
	s10 =	sadd.s32 s2, s15;
	[dreg:$0xb] =	wrdreg s16  }
0x19: {  	s11 =	simm.s32 $0x2;
	s18 =	sadd.s32 s5, s17;
	[dreg:$0xc] =	wrdreg s10  }
0x1a: {  	s20 =	sadd.s32 s2, s17;
	s21 =	sadd.s32 s5, s19;
	[dreg:$0xd] =	wrdreg s18  }
0x1b: {  	s12 =	simm.s32 $0x3;
	s17 =	simm.s32 $0x0;
	[dreg:$0xe] =	wrdreg s20  }
0x1c: {  	[dreg:$0xf] =	wrdreg s21;
	s10 =	sadd.s32 s2, s19;
	s16 =	sshrl.u32 @!p0 s3, $0x3  }
0x1d: {  	s19 =	simm.s32 $0x200;
	s20 =	simm.s32 $0x80;
	[dreg:$0x10] =	wrdreg s10  }
0x1e: {  	s21 =	simm.s32 $0x280;
	s10 =	simm.s32 $0x9;
	[dreg:$0x14] =	wrdreg s16  }
.LBB2_1:
0x1f: {  	[dreg:$0x15] =	wrdreg s17  }
0x20: {  	s15 =	simm.s32 @!p0 $0x1C09;
	s14 =	rddreg [dreg:$0x8]  }
0x21: {  	[spmem:s16], [sflag:s15] =	dma.local @!p0 [hbm:s14], $0x27800  }
0x22: {  	s15 =	simm.s32 @!p0 $0x9  }
0x23: {  	_ =	swait.ge @!p0 [sflag:s15], $0x27800  }
0x24: {  	[sflag:s15] =	ssyncset.done @!p0 $0x0  }
0x25: {  	[sflag:s15] =	ssyncadd.s32 @!p0 $0xFFFD8800  }
0x26: {  	[bflag:$0x0] =	sbarrier.arrive $0xFFFF  }
0x27: {  	s17 =	rddreg [dreg:$0x9]  }
0x28: {  	[tilespmem:s4], [sflag:$0x5] =	stream.linear.gather [hbm4b:s17+s4], $0x50, $0x38;
	[tilespmem:$0x1E000] =	vst v63  }
0x29: {  	s18 =	rddreg [dreg:$0xa]  }
0x2a: {  	[tilespmem:s19], [sflag:$0x5] =	stream.linear.gather [hbm4b:s18+s4], $0x50, $0x38;
	[tilespmem:$0x1E000] =	vst v63  }
0x2b: {  	s15 =	rddreg [dreg:$0xb]  }
0x2c: {  	[tilespmem:s20], [sflag:$0x6] =	stream.linear.gather [hbm4b:s15+s4], $0x50, $0x38;
	[tilespmem:$0x1E000] =	vst v63  }
0x2d: {  	s16 =	rddreg [dreg:$0xc]  }
0x2e: {  	[tilespmem:s21], [sflag:$0x6] =	stream.linear.gather [hbm4b:s16+s4], $0x50, $0x38;
	[tilespmem:$0x1E000] =	vst v63  }
0x2f: {  	s17 =	rddreg [dreg:$0xd]  }
0x30: {  	[tilespmem:s22], [sflag:$0x7] =	stream.linear.gather [hbm4b:s17+s4], $0x50, $0x38;
	[tilespmem:$0x1E000] =	vst v63  }
0x31: {  	s18 =	rddreg [dreg:$0xe]  }
0x32: {  	[tilespmem:s23], [sflag:$0x7] =	stream.linear.gather [hbm4b:s18+s4], $0x50, $0x38;
	[tilespmem:$0x1E000] =	vst v63  }
0x33: {  	s15 =	rddreg [dreg:$0xf]  }
0x34: {  	[tilespmem:s24], [sflag:$0x8] =	stream.linear.gather [hbm4b:s15+s4], $0x50, $0x38;
	[tilespmem:$0x1E000] =	vst v63  }
0x35: {  	s16 =	rddreg [dreg:$0x10]  }
0x36: {  	[tilespmem:s25], [sflag:$0x8] =	stream.linear.gather [hbm4b:s16+s4], $0x50, $0x38;
	[tilespmem:$0x1E000] =	vst v63  }
0x37: {  	_ =	swait.ge [sflag:s26], $0x50  }
0x38: {  	[sflag:s26] =	ssyncset.done $0x0  }
0x39: {  	[sflag:s26] =	ssyncadd.s32 $0xFFFFFFB0  }
0x3a: {  	_ =	swait.ge [sflag:s26], $0x50  }
0x3b: {  	[sflag:s26] =	ssyncset.done $0x0  }
0x3c: {  	[sflag:s26] =	ssyncadd.s32 $0xFFFFFFB0  }
0x3d: {  	[tilespmem:s29], [sflag:$0x1] =	stream.indirect.gather [hbm4b:s1+s28], $0x80, s4, s28, $0xb8;
	[tilespmem:$0x1E000] =	vst v63  }
0x3e: {  	_ =	swait.ge [sflag:s30], $0x50  }
0x3f: {  	[sflag:s30] =	ssyncset.done $0x0  }
0x40: {  	[sflag:s30] =	ssyncadd.s32 $0xFFFFFFB0  }
0x41: {  	_ =	swait.ge [sflag:s30], $0x50  }
0x42: {  	[sflag:s30] =	ssyncset.done $0x0  }
0x43: {  	[sflag:s30] =	ssyncadd.s32 $0xFFFFFFB0  }
0x44: {  	[tilespmem:s31], [sflag:$0x2] =	stream.indirect.gather [hbm4b:s1+s28], $0x80, s20, s28, $0xb8;
	[tilespmem:$0x1E000] =	vst v63  }
0x45: {  	_ =	swait.ge [sflag:s0], $0x50  }
0x46: {  	[sflag:s0] =	ssyncset.done $0x0  }
0x47: {  	[sflag:s0] =	ssyncadd.s32 $0xFFFFFFB0  }
0x48: {  	_ =	swait.ge [sflag:s0], $0x50  }
0x49: {  	[sflag:s0] =	ssyncset.done $0x0  }
0x4a: {  	[sflag:s0] =	ssyncadd.s32 $0xFFFFFFB0  }
0x4b: {  	[tilespmem:s6], [sflag:$0x3] =	stream.indirect.gather [hbm4b:s1+s28], $0x80, s22, s28, $0xb8;
	[tilespmem:$0x1E000] =	vst v63  }
0x4c: {  	_ =	swait.ge [sflag:s7], $0x2800  }
0x4d: {  	[sflag:s7] =	ssyncset.done $0x0  }
0x4e: {  	[sflag:s7] =	ssyncadd.s32 $0xFFFFD800  }
0x4f: {  	_ =	swait.ge [sflag:s8], $0x50  }
0x50: {  	[sflag:s8] =	ssyncset.done $0x0  }
0x51: {  	[sflag:s8] =	ssyncadd.s32 $0xFFFFFFB0  }
0x52: {  	_ =	swait.ge [sflag:s8], $0x50  }
0x53: {  	[sflag:s8] =	ssyncset.done $0x0  }
0x54: {  	[sflag:s8] =	ssyncadd.s32 $0xFFFFFFB0  }
0x55: {  	[tilespmem:s9], [sflag:$0x4] =	stream.indirect.gather [hbm4b:s1+s28], $0x80, s24, s28, $0xb8;
	[tilespmem:$0x1E000] =	vst v63  }
0x56: {  	_ = 	snop  }
0x57: {  	[spmem:s3] =	stream.indirect.scatter.add.f32 [tilespmem:s29], [sflag:$0x9], $0x80, s19, s28, $0xb8;
	[tilespmem:$0x1E000] =	vst v63  }
0x58: {  	_ =	swait.ge [sflag:s10], $0x2800  }
0x59: {  	s14 =	rddreg [dreg:$0x13]  }
0x5a: {  	[sflag:s10] =	ssyncset.done $0x0;
	s17 =	sshrl.u32 s14, $0x3  }
0x5b: {  	[sflag:s10] =	ssyncadd.s32 $0xFFFFD800;
	s18 =	sadd.s32 s5, s17  }
0x5c: {  	[tilespmem:s4], [sflag:$0x5] =	stream.linear.gather [hbm4b:s18+s4], $0x50, $0x38;
	[tilespmem:$0x1E000] =	vst v63  }
0x5d: {  	s15 =	sadd.s32 s2, s17  }
0x5e: {  	[tilespmem:s19], [sflag:$0x5] =	stream.linear.gather [hbm4b:s15+s4], $0x50, $0x38;
	[tilespmem:$0x1E000] =	vst v63  }
0x5f: {  	_ =	swait.ge [sflag:s11], $0x2800  }
0x60: {  	[sflag:s11] =	ssyncset.done $0x0  }
0x61: {  	[sflag:s11] =	ssyncadd.s32 $0xFFFFD800  }
0x62: {  	_ =	swait.ge [sflag:s26], $0x50  }
0x63: {  	[sflag:s26] =	ssyncset.done $0x0  }
0x64: {  	[sflag:s26] =	ssyncadd.s32 $0xFFFFFFB0  }
0x65: {  	_ =	swait.ge [sflag:s26], $0x50  }
0x66: {  	[sflag:s26] =	ssyncset.done $0x0  }
0x67: {  	[sflag:s26] =	ssyncadd.s32 $0xFFFFFFB0  }
0x68: {  	[tilespmem:s29], [sflag:$0x1] =	stream.indirect.gather [hbm4b:s1+s28], $0x80, s4, s28, $0xb8;
	[tilespmem:$0x1E000] =	vst v63  }
0x69: {  	s16 =	smin.u32 s4, $0x77  }
0x6a: {  	[spmem:s3] =	stream.indirect.scatter.add.f32 [tilespmem:s31], [sflag:$0x9], $0x80, s21, s28, $0xb8;
	[tilespmem:$0x1E000] =	vst v63  }
0x6b: {  	s15 =	smul.u32 $0x50, s16;
	_ =	swait.ge [sflag:s10], $0x2800  }
0x6c: {  	s17 =	rddreg [dreg:$0x5]  }
0x6d: {  	s15 =	sadd.s32 s15, s17  }
0x6e: {  	[sflag:s10] =	ssyncset.done $0x0;
	s15 =	sshrl.u32 s15, $0x3  }
0x6f: {  	[sflag:s10] =	ssyncadd.s32 $0xFFFFD800;
	s18 =	sadd.s32 s5, s15  }
0x70: {  	[tilespmem:s20], [sflag:$0x6] =	stream.linear.gather [hbm4b:s18+s4], $0x50, $0x38;
	[tilespmem:$0x1E000] =	vst v63  }
0x71: {  	s15 =	sadd.s32 s2, s15  }
0x72: {  	[tilespmem:s21], [sflag:$0x6] =	stream.linear.gather [hbm4b:s15+s4], $0x50, $0x38;
	[tilespmem:$0x1E000] =	vst v63  }
0x73: {  	_ =	swait.ge [sflag:s12], $0x2800  }
0x74: {  	[sflag:s12] =	ssyncset.done $0x0  }
0x75: {  	[sflag:s12] =	ssyncadd.s32 $0xFFFFD800  }
0x76: {  	_ =	swait.ge [sflag:s30], $0x50  }
0x77: {  	[sflag:s30] =	ssyncset.done $0x0  }
0x78: {  	[sflag:s30] =	ssyncadd.s32 $0xFFFFFFB0  }
0x79: {  	_ =	swait.ge [sflag:s30], $0x50  }
0x7a: {  	[sflag:s30] =	ssyncset.done $0x0  }
0x7b: {  	[sflag:s30] =	ssyncadd.s32 $0xFFFFFFB0  }
0x7c: {  	[tilespmem:s31], [sflag:$0x2] =	stream.indirect.gather [hbm4b:s1+s28], $0x80, s20, s28, $0xb8;
	[tilespmem:$0x1E000] =	vst v63  }
0x7d: {  	s16 =	smin.u32 s4, $0x76  }
0x7e: {  	[spmem:s3] =	stream.indirect.scatter.add.f32 [tilespmem:s6], [sflag:$0x9], $0x80, s23, s28, $0xb8;
	[tilespmem:$0x1E000] =	vst v63  }
0x7f: {  	s15 =	smul.u32 $0x50, s16;
	_ =	swait.ge [sflag:s10], $0x2800  }
0x80: {  	s17 =	rddreg [dreg:$0x6]  }
0x81: {  	s15 =	sadd.s32 s15, s17  }
0x82: {  	[sflag:s10] =	ssyncset.done $0x0;
	s15 =	sshrl.u32 s15, $0x3  }
0x83: {  	[sflag:s10] =	ssyncadd.s32 $0xFFFFD800;
	s18 =	sadd.s32 s5, s15  }
0x84: {  	[tilespmem:s22], [sflag:$0x7] =	stream.linear.gather [hbm4b:s18+s4], $0x50, $0x38;
	[tilespmem:$0x1E000] =	vst v63  }
0x85: {  	s15 =	sadd.s32 s2, s15  }
0x86: {  	[tilespmem:s23], [sflag:$0x7] =	stream.linear.gather [hbm4b:s15+s4], $0x50, $0x38;
	[tilespmem:$0x1E000] =	vst v63  }
0x87: {  	_ =	swait.ge [sflag:s13], $0x2800  }
0x88: {  	[sflag:s13] =	ssyncset.done $0x0  }
0x89: {  	[sflag:s13] =	ssyncadd.s32 $0xFFFFD800  }
0x8a: {  	_ =	swait.ge [sflag:s0], $0x50  }
0x8b: {  	[sflag:s0] =	ssyncset.done $0x0  }
0x8c: {  	[sflag:s0] =	ssyncadd.s32 $0xFFFFFFB0  }
0x8d: {  	_ =	swait.ge [sflag:s0], $0x50  }
0x8e: {  	[sflag:s0] =	ssyncset.done $0x0  }
0x8f: {  	[sflag:s0] =	ssyncadd.s32 $0xFFFFFFB0  }
0x90: {  	[tilespmem:s6], [sflag:$0x3] =	stream.indirect.gather [hbm4b:s1+s28], $0x80, s22, s28, $0xb8;
	[tilespmem:$0x1E000] =	vst v63  }
0x91: {  	s17 =	smin.u32 s4, $0x75  }
0x92: {  	[spmem:s3] =	stream.indirect.scatter.add.f32 [tilespmem:s9], [sflag:$0x9], $0x80, s25, s28, $0xb8;
	[tilespmem:$0x1E000] =	vst v63  }
0x93: {  	s15 =	smul.u32 $0x50, s17;
	_ =	swait.ge [sflag:s10], $0x2800  }
0x94: {  	s18 =	rddreg [dreg:$0x7]  }
0x95: {  	s15 =	sadd.s32 s15, s18  }
0x96: {  	[sflag:s10] =	ssyncset.done $0x0;
	s16 =	sshrl.u32 s15, $0x3  }
0x97: {  	[sflag:s10] =	ssyncadd.s32 $0xFFFFD800;
	s15 =	sadd.s32 s5, s16  }
0x98: {  	[tilespmem:s24], [sflag:$0x8] =	stream.linear.gather [hbm4b:s15+s4], $0x50, $0x38;
	[tilespmem:$0x1E000] =	vst v63  }
0x99: {  	s17 =	sadd.s32 s2, s16;
	s16 =	sadd.s32 $0x140, s14;
	s15 =	simm.s32 $0x4  }
.LBB2_2:
0x9a: {  	[tilespmem:s25], [sflag:$0x8] =	stream.linear.gather [hbm4b:s17+s4], $0x50, $0x38;
	[tilespmem:$0x1E000] =	vst v63  }
0x9b: {  	_ =	swait.ge [sflag:s7], $0x2800  }
0x9c: {  	[sflag:s7] =	ssyncset.done $0x0  }
0x9d: {  	[sflag:s7] =	ssyncadd.s32 $0xFFFFD800  }
0x9e: {  	_ =	swait.ge [sflag:s8], $0x50  }
0x9f: {  	[sflag:s8] =	ssyncset.done $0x0  }
0xa0: {  	[sflag:s8] =	ssyncadd.s32 $0xFFFFFFB0  }
0xa1: {  	_ =	swait.ge [sflag:s8], $0x50  }
0xa2: {  	[sflag:s8] =	ssyncset.done $0x0  }
0xa3: {  	[sflag:s8] =	ssyncadd.s32 $0xFFFFFFB0  }
0xa4: {  	[tilespmem:s9], [sflag:$0x4] =	stream.indirect.gather [hbm4b:s1+s28], $0x80, s24, s28, $0xb8;
	[tilespmem:$0x1E000] =	vst v63  }
0xa5: {  	_ = 	snop  }
0xa6: {  	[spmem:s3] =	stream.indirect.scatter.add.f32 [tilespmem:s29], [sflag:$0x9], $0x80, s19, s28, $0xb8;
	[tilespmem:$0x1E000] =	vst v63  }
0xa7: {  	_ =	swait.ge [sflag:s10], $0x2800  }
0xa8: {  	s18 =	sshrl.u32 s16, $0x3;
	[sflag:s10] =	ssyncset.done $0x0  }
0xa9: {  	s14 =	sadd.s32 s5, s18;
	[sflag:s10] =	ssyncadd.s32 $0xFFFFD800  }
0xaa: {  	[tilespmem:s4], [sflag:$0x5] =	stream.linear.gather [hbm4b:s14+s4], $0x50, $0x38;
	[tilespmem:$0x1E000] =	vst v63  }
0xab: {  	s18 =	sadd.s32 s2, s18  }
0xac: {  	[tilespmem:s19], [sflag:$0x5] =	stream.linear.gather [hbm4b:s18+s4], $0x50, $0x38;
	[tilespmem:$0x1E000] =	vst v63  }
0xad: {  	_ =	swait.ge [sflag:s11], $0x2800  }
0xae: {  	[sflag:s11] =	ssyncset.done $0x0  }
0xaf: {  	[sflag:s11] =	ssyncadd.s32 $0xFFFFD800  }
0xb0: {  	_ =	swait.ge [sflag:s26], $0x50  }
0xb1: {  	[sflag:s26] =	ssyncset.done $0x0  }
0xb2: {  	[sflag:s26] =	ssyncadd.s32 $0xFFFFFFB0  }
0xb3: {  	_ =	swait.ge [sflag:s26], $0x50  }
0xb4: {  	[sflag:s26] =	ssyncset.done $0x0  }
0xb5: {  	s17 =	smov.u32 s15;
	[sflag:s26] =	ssyncadd.s32 $0xFFFFFFB0  }
0xb6: {  	[tilespmem:s29], [sflag:$0x1] =	stream.indirect.gather [hbm4b:s1+s28], $0x80, s4, s28, $0xb8;
	[tilespmem:$0x1E000] =	vst v63  }
0xb7: {  	s14 =	smin.u32 s17, $0x77  }
0xb8: {  	[spmem:s3] =	stream.indirect.scatter.add.f32 [tilespmem:s31], [sflag:$0x9], $0x80, s21, s28, $0xb8;
	[tilespmem:$0x1E000] =	vst v63  }
0xb9: {  	s14 =	smul.u32 $0x50, s14;
	_ =	swait.ge [sflag:s10], $0x2800  }
0xba: {  	s18 =	rddreg [dreg:$0x5]  }
0xbb: {  	s14 =	sadd.s32 s14, s18  }
0xbc: {  	[sflag:s10] =	ssyncset.done $0x0;
	s14 =	sshrl.u32 s14, $0x3  }
0xbd: {  	[sflag:s10] =	ssyncadd.s32 $0xFFFFD800;
	s18 =	sadd.s32 s5, s14  }
0xbe: {  	[tilespmem:s20], [sflag:$0x6] =	stream.linear.gather [hbm4b:s18+s4], $0x50, $0x38;
	[tilespmem:$0x1E000] =	vst v63  }
0xbf: {  	s14 =	sadd.s32 s2, s14  }
0xc0: {  	[tilespmem:s21], [sflag:$0x6] =	stream.linear.gather [hbm4b:s14+s4], $0x50, $0x38;
	[tilespmem:$0x1E000] =	vst v63  }
0xc1: {  	_ =	swait.ge [sflag:s12], $0x2800  }
0xc2: {  	[sflag:s12] =	ssyncset.done $0x0  }
0xc3: {  	[sflag:s12] =	ssyncadd.s32 $0xFFFFD800  }
0xc4: {  	_ =	swait.ge [sflag:s30], $0x50  }
0xc5: {  	[sflag:s30] =	ssyncset.done $0x0  }
0xc6: {  	[sflag:s30] =	ssyncadd.s32 $0xFFFFFFB0  }
0xc7: {  	_ =	swait.ge [sflag:s30], $0x50  }
0xc8: {  	[sflag:s30] =	ssyncset.done $0x0  }
0xc9: {  	[sflag:s30] =	ssyncadd.s32 $0xFFFFFFB0  }
0xca: {  	[tilespmem:s31], [sflag:$0x2] =	stream.indirect.gather [hbm4b:s1+s28], $0x80, s20, s28, $0xb8;
	[tilespmem:$0x1E000] =	vst v63  }
0xcb: {  	s14 =	smin.u32 s17, $0x76  }
0xcc: {  	[spmem:s3] =	stream.indirect.scatter.add.f32 [tilespmem:s6], [sflag:$0x9], $0x80, s23, s28, $0xb8;
	[tilespmem:$0x1E000] =	vst v63  }
0xcd: {  	s14 =	smul.u32 $0x50, s14;
	_ =	swait.ge [sflag:s10], $0x2800  }
0xce: {  	s18 =	rddreg [dreg:$0x6]  }
0xcf: {  	s14 =	sadd.s32 s14, s18  }
0xd0: {  	[sflag:s10] =	ssyncset.done $0x0;
	s14 =	sshrl.u32 s14, $0x3  }
0xd1: {  	[sflag:s10] =	ssyncadd.s32 $0xFFFFD800;
	s18 =	sadd.s32 s5, s14  }
0xd2: {  	[tilespmem:s22], [sflag:$0x7] =	stream.linear.gather [hbm4b:s18+s4], $0x50, $0x38;
	[tilespmem:$0x1E000] =	vst v63  }
0xd3: {  	s14 =	sadd.s32 s2, s14  }
0xd4: {  	[tilespmem:s23], [sflag:$0x7] =	stream.linear.gather [hbm4b:s14+s4], $0x50, $0x38;
	[tilespmem:$0x1E000] =	vst v63  }
0xd5: {  	_ =	swait.ge [sflag:s13], $0x2800  }
0xd6: {  	[sflag:s13] =	ssyncset.done $0x0  }
0xd7: {  	[sflag:s13] =	ssyncadd.s32 $0xFFFFD800  }
0xd8: {  	_ =	swait.ge [sflag:s0], $0x50  }
0xd9: {  	[sflag:s0] =	ssyncset.done $0x0  }
0xda: {  	[sflag:s0] =	ssyncadd.s32 $0xFFFFFFB0  }
0xdb: {  	_ =	swait.ge [sflag:s0], $0x50  }
0xdc: {  	[sflag:s0] =	ssyncset.done $0x0  }
0xdd: {  	[sflag:s0] =	ssyncadd.s32 $0xFFFFFFB0  }
0xde: {  	[tilespmem:s6], [sflag:$0x3] =	stream.indirect.gather [hbm4b:s1+s28], $0x80, s22, s28, $0xb8;
	[tilespmem:$0x1E000] =	vst v63  }
0xdf: {  	s17 =	smin.u32 s17, $0x75  }
0xe0: {  	[spmem:s3] =	stream.indirect.scatter.add.f32 [tilespmem:s9], [sflag:$0x9], $0x80, s25, s28, $0xb8;
	[tilespmem:$0x1E000] =	vst v63  }
0xe1: {  	p1 =	sne.s32 s15, $0x78;
	s14 =	smul.u32 $0x50, s17;
	_ =	swait.ge [sflag:s10], $0x2800  }
.Ltmp0:
0xe2: {  	s18 =	rddreg [dreg:$0x7];
	(pc) =	sbr.rel @p1 .LBB2_2-.Ltmp0, $4  }
0xe3: {  	s15 =	sadd.s32 $0x4, s15;
	s14 =	sadd.s32 s14, s18  }
0xe4: {  	s16 =	sadd.s32 $0x140, s16;
	[sflag:s10] =	ssyncset.done $0x0;
	s14 =	sshrl.u32 s14, $0x3  }
0xe5: {  	[sflag:s10] =	ssyncadd.s32 $0xFFFFD800;
	s18 =	sadd.s32 s5, s14;
	s17 =	sadd.s32 s2, s14  }
0xe6: {  	[tilespmem:s24], [sflag:$0x8] =	stream.linear.gather [hbm4b:s18+s4], $0x50, $0x38;
	[tilespmem:$0x1E000] =	vst v63  }
0xe7: {  	[tilespmem:s25], [sflag:$0x8] =	stream.linear.gather [hbm4b:s17+s4], $0x50, $0x38;
	[tilespmem:$0x1E000] =	vst v63  }
0xe8: {  	_ =	swait.ge [sflag:s7], $0x2800  }
0xe9: {  	[sflag:s7] =	ssyncset.done $0x0  }
0xea: {  	[sflag:s7] =	ssyncadd.s32 $0xFFFFD800  }
0xeb: {  	[spmem:s3] =	stream.indirect.scatter.add.f32 [tilespmem:s29], [sflag:$0x9], $0x80, s19, s28, $0xb8;
	[tilespmem:$0x1E000] =	vst v63  }
0xec: {  	_ =	swait.ge [sflag:s10], $0x2800  }
0xed: {  	[sflag:s10] =	ssyncset.done $0x0  }
0xee: {  	[sflag:s10] =	ssyncadd.s32 $0xFFFFD800  }
0xef: {  	_ =	swait.ge [sflag:s11], $0x2800  }
0xf0: {  	[sflag:s11] =	ssyncset.done $0x0  }
0xf1: {  	[sflag:s11] =	ssyncadd.s32 $0xFFFFD800  }
0xf2: {  	_ =	swait.ge [sflag:s12], $0x2800  }
0xf3: {  	[sflag:s12] =	ssyncset.done $0x0  }
0xf4: {  	[sflag:s12] =	ssyncadd.s32 $0xFFFFD800  }
0xf5: {  	_ =	swait.ge [sflag:s8], $0x50  }
0xf6: {  	[sflag:s8] =	ssyncset.done $0x0  }
0xf7: {  	[sflag:s8] =	ssyncadd.s32 $0xFFFFFFB0  }
0xf8: {  	_ =	swait.ge [sflag:s8], $0x50  }
0xf9: {  	[sflag:s8] =	ssyncset.done $0x0  }
0xfa: {  	[sflag:s8] =	ssyncadd.s32 $0xFFFFFFB0  }
0xfb: {  	[bflag:$0x0] =	sbarrier.arrive $0xFFFF  }
0xfc: {  	s15 =	rddreg [dreg:$0x11]  }
0xfd: {  	s14 =	simm.s32 @!p0 $0x1C09;
	s16 =	rddreg [dreg:$0x14]  }
0xfe: {  	[hbm:s15], [sflag:s14] =	dma.local @!p0 [spmem:s16], $0x27800  }
0xff: {  	s14 =	simm.s32 @!p0 $0x9  }
0x100: {  	_ =	swait.ge @!p0 [sflag:s14], $0x27800  }
0x101: {  	s15 =	rddreg [dreg:$0x15]  }
0x102: {  	s18 =	rddreg [dreg:$0x12];
	s17 =	sadd.s32 $0x1, s15  }
0x103: {  	p1 =	sne.s32 s17, s18  }
.Ltmp1:
0x104: {  	_ = 	snop;
	(pc) =	sbr.rel @p1 .LBB2_1-.Ltmp1, $3  }
0x105: {  	_ =	sdelay $0x1  }
0x106: {  	[sflag:s14] =	ssyncset.done @!p0 $0x0  }
0x107: {  	[sflag:s14] =	ssyncadd.s32 @!p0 $0xFFFD8800  }
0x108: {  	_ =	sfence.sel $0x180000  }
0x109: {  	[bflag:$0x0] =	sbarrier.arrive $0xFFFF  }
0x10a: {  	_ =	strace $0x90000047  }
0x10b: {  	[bflag:$0x2] =	sbarrier.arrive $0xFFFF  }
0x10c: {  	s0 =	rddreg [dreg:$0x4]  }
0x10d: {  	s0 =	sadd.s32 @!p0 $0x100000, s0  }
0x10e: {  	[sflag:s0] =	ssyncadd.tile.s32 @!p0 $0x1;
	_ =	shalt  }
.Lfunc_end2:
_tile_overlayer_lowered:
.L_overlay_start_2:
0x10f: {  	(tag) =	ssettag $0x2  }
0x110: {  	s0 =	rddreg [dreg:$0x0];
	s2 =	stileid.u32  }
0x111: {  	s1 =	rddreg [dreg:$0x1];
	p0 =	sne.s32 s2, $0x0  }
0x112: {  	s3 =	rddreg [dreg:$0x2];
	[bflag:$0x3] =	sbarrier.arrive $0xFFFF;
	s2 =	simm.s32 @!p0 $0x1C09  }
0x113: {  	[timem:s3], [sflag:s2] =	dma.local @!p0 [hbm:s0], s1  }
0x114: {  	s0 =	simm.s32 @!p0 $0x9  }
0x115: {  	_ =	swait.ge @!p0 [sflag:s0], s1  }
0x116: {  	s1 =	ssub.s32 @!p0 $0x0, s1;
	[sflag:s0] =	ssyncset.done @!p0 $0x0  }
0x117: {  	[sflag:s0] =	ssyncadd.s32 @!p0 s1  }
0x118: {  	[bflag:$0x3] =	sbarrier.arrive $0xFFFF  }
0x119: {  	_ =	shalt  }

// kernel: _run.8.cloned.1.call-start
scs
__scs_entry_jumppad:
0x0: {  	(pc) =	sbr.rel $0x88, $3  }
0x1: {  	(tag) =	ssettag $0x0;
	lr =	simm.s32 $0x1  }
0x2: {  	[smem:$0x3F9C] =	sst lr;
	_ =	strace $0xD0000000  }
0x3: {  	_ = 	snop  }
0x4: {  	_ = 	snop  }
0x5: {  	_ = 	snop  }
0x6: {  	_ = 	snop  }
0x7: {  	_ = 	snop  }
__scs_overlays_trampoline_lowered:
0x8: {  	[smem:$0x3FAB] =	sst s0  }
0x9: {  	[smem:$0x3FAC] =	sst s1  }
0xa: {  	[smem:$0x3FAD] =	sst s2  }
0xb: {  	[smem:$0x3FAE] =	sst s3  }
0xc: {  	[smem:$0x3FAF] =	sst s4  }
0xd: {  	[smem:$0x3FB0] =	sst s5  }
0xe: {  	[smem:$0x3FB1] =	sst s6  }
0xf: {  	[smem:$0x3FB2] =	sst s7  }
0x10: {  	[smem:$0x3FB3] =	sst s8  }
0x11: {  	[smem:$0x3FB4] =	sst s9;
	s0 =	simm.s32 @!p0 $0x0  }
0x12: {  	s1 =	sld [smem:$0x3F9A];
	s0 =	simm.s32 @p0 $0x1  }
0x13: {  	[smem:$0x3FB5] =	sst s0;
	s0 =	simm.s32 @!p1 $0x0  }
0x14: {  	s2 =	sld [smem:$0x3F99];
	s0 =	simm.s32 @p1 $0x1  }
0x15: {  	[smem:$0x3FB6] =	sst s0;
	s0 =	simm.s32 @!p2 $0x0  }
0x16: {  	s3 =	sld [smem:$0x3FDB];
	s0 =	simm.s32 @p2 $0x1  }
0x17: {  	s4 =	simm.s32 $0x1BF5;
	[smem:$0x3FB8] =	sst s0  }
0x18: {  	s0 =	sld [smem:$0x3F9B];
	_ =	swait.ge [sflag:s4], $0x0  }
0x19: {  	s7 =	sld [smem:$0x3F9C]  }
0x1a: {  	s8 =	sadd.s32 $0xFFFFE003, lr  }
0x1b: {  	s9 =	sadd.s32 $0xFFFFFEF7, lr;
	s5 =	simm.s32 $0xFFFFFFFF;
	p2 =	slt.u32 s8, $0xFFFFF086  }
0x1c: {  	p1 =	slt.u32 s9, $0xF7A;
	s5 =	simm.s32 @!p2 $0x0  }
0x1d: {  	s5 =	simm.s32 @p1 $0x1;
	p0 =	seq.s32 s7, s2  }
0x1e: {  	s7 =	smul.u32 @!p0 $0xF7A, s2;
	p2 =	seq.s32 @!p0 s5, $0x0  }
0x1f: {  	s9 =	smul.u32 $0xF7A, s1;
	s8 =	simm.s32 @!p0 $0x1BF5;
	p2 =	por !p2, p0  }
0x20: {  	[sflag:s8] =	ssyncset.s32 @!p0 $0xFFFFF086;
	s6 =	sadd.s32 @!p0 s3, s7;
	s7 =	simm.s32 @!p0 $0x108  }
0x21: {  	s3 =	sadd.s32 s3, s9;
	s6 =	sadd.s32 @!p0 $0x88, s6;
	s7 =	simm.s32 @p2 $0x1082  }
0x22: {  	[simem:s7], [sflag:s8] =	dma.local @!p0 [hbm:s6], $0xF7A  }
0x23: {  	s9 =	sor.u32 $0xD0000000, s2;
	s6 =	simm.s32 $0x108;
	_ =	swait.ge @!p0 [sflag:s8], $0x0  }
0x24: {  	s3 =	sadd.s32 $0x88, s3;
	s6 =	simm.s32 @!p1 $0x1082;
	[sflag:s4] =	ssyncset.s32 $0xFFFFF086  }
0x25: {  	[simem:s6], [sflag:s4] =	dma.local [hbm:s3], $0xF7A  }
0x26: {  	[smem:$0x3F9C] =	sst s1;
	(tag) =	ssettag s2;
	_ =	strace s9  }
0x27: {  	s1 =	sld [smem:$0x3FAC]  }
0x28: {  	s2 =	sld [smem:$0x3FAD]  }
0x29: {  	s4 =	sld [smem:$0x3FAF]  }
0x2a: {  	p0 =	seq.s32 s5, $0x0;
	s5 =	sld [smem:$0x3FB0]  }
0x2b: {  	s6 =	sld [smem:$0x3FB1]  }
0x2c: {  	s7 =	sld [smem:$0x3FB2]  }
0x2d: {  	s3 =	simm.s32 $0x108;
	s8 =	sld [smem:$0x3FB3]  }
0x2e: {  	s3 =	simm.s32 @!p0 $0x1082;
	s9 =	sld [smem:$0x3FB4]  }
0x2f: {  	lr =	sadd.s32 s0, s3;
	s0 =	sld [smem:$0x3FAB]  }
0x30: {  	s3 =	sld [smem:$0x3FAE]  }
0x31: {  	[smem:$0x3FB7] =	sst s10  }
0x32: {  	s10 =	sld [smem:$0x3FB5];
	_ =	sdelay $0x3  }
0x33: {  	p0 =	seq.s32 s10, $0x1;
	s10 =	sld [smem:$0x3FB7];
	_ =	sdelay $0x3  }
0x34: {  	[smem:$0x3FB7] =	sst s10  }
0x35: {  	s10 =	sld [smem:$0x3FB6];
	_ =	sdelay $0x3  }
0x36: {  	p1 =	seq.s32 s10, $0x1;
	s10 =	sld [smem:$0x3FB7];
	_ =	sdelay $0x3  }
0x37: {  	[smem:$0x3FB7] =	sst s10  }
0x38: {  	s10 =	sld [smem:$0x3FB8]  }
0x39: {  	_ = 	snop;
	(pc) =	sbr.ind lr, $3  }
0x3a: {  	_ = 	snop  }
0x3b: {  	_ = 	snop  }
0x3c: {  	p2 =	seq.s32 s10, $0x1;
	s10 =	sld [smem:$0x3FB7]  }
0x3d: {  	_ =	shalt  }
0x3e: {  	_ =	shalt  }
0x3f: {  	_ =	shalt  }
0x40: {  	_ =	shalt  }
0x41: {  	_ =	shalt  }
0x42: {  	_ =	shalt  }
0x43: {  	_ =	shalt  }
0x44: {  	_ =	shalt  }
0x45: {  	_ =	shalt  }
0x46: {  	_ =	shalt  }
0x47: {  	_ =	shalt  }
0x48: {  	_ =	shalt  }
0x49: {  	_ =	shalt  }
0x4a: {  	_ =	shalt  }
0x4b: {  	_ =	shalt  }
0x4c: {  	_ =	shalt  }
0x4d: {  	_ =	shalt  }
0x4e: {  	_ =	shalt  }
0x4f: {  	_ =	shalt  }
0x50: {  	_ =	shalt  }
0x51: {  	_ =	shalt  }
0x52: {  	_ =	shalt  }
0x53: {  	_ =	shalt  }
0x54: {  	_ =	shalt  }
0x55: {  	_ =	shalt  }
0x56: {  	_ =	shalt  }
0x57: {  	_ =	shalt  }
0x58: {  	_ =	shalt  }
0x59: {  	_ =	shalt  }
0x5a: {  	_ =	shalt  }
0x5b: {  	_ =	shalt  }
0x5c: {  	_ =	shalt  }
0x5d: {  	_ =	shalt  }
0x5e: {  	_ =	shalt  }
0x5f: {  	_ =	shalt  }
0x60: {  	_ =	shalt  }
0x61: {  	_ =	shalt  }
0x62: {  	_ =	shalt  }
0x63: {  	_ =	shalt  }
0x64: {  	_ =	shalt  }
0x65: {  	_ =	shalt  }
0x66: {  	_ =	shalt  }
0x67: {  	_ =	shalt  }
0x68: {  	_ =	shalt  }
0x69: {  	_ =	shalt  }
0x6a: {  	_ =	shalt  }
0x6b: {  	_ =	shalt  }
0x6c: {  	_ =	shalt  }
0x6d: {  	_ =	shalt  }
0x6e: {  	_ =	shalt  }
0x6f: {  	_ =	shalt  }
0x70: {  	_ =	shalt  }
0x71: {  	_ =	shalt  }
0x72: {  	_ =	shalt  }
0x73: {  	_ =	shalt  }
0x74: {  	_ =	shalt  }
0x75: {  	_ =	shalt  }
0x76: {  	_ =	shalt  }
0x77: {  	_ =	shalt  }
0x78: {  	_ =	shalt  }
0x79: {  	_ =	shalt  }
0x7a: {  	_ =	shalt  }
0x7b: {  	_ =	shalt  }
0x7c: {  	_ =	shalt  }
0x7d: {  	_ =	shalt  }
0x7e: {  	_ =	shalt  }
0x7f: {  	_ =	shalt  }
0x80: {  	_ =	shalt  }
0x81: {  	_ =	shalt  }
0x82: {  	_ =	shalt  }
0x83: {  	_ =	shalt  }
0x84: {  	_ =	shalt  }
0x85: {  	_ =	shalt  }
0x86: {  	_ =	shalt  }
0x87: {  	_ =	shalt  }
.Lfunc_end0:
.L_simem_size_0:
called_computation.1_lowered:
.L_overlay_start_0:
0x88: {  	s2 =	sld [smem:$0x3FD9]  }
0x89: {  	s3 =	sld [smem:$0x3FFE];
	_ =	sdelay $0x1  }
0x8a: {  	s1 =	srdreg.scid  }
0x8b: {  	s0 =	sand.u32 $0x1, s1  }
0x8c: {  	s17 =	sshll.u32 s0, $0xA;
	s2 =	sadd.s32 s3, s2  }
0x8d: {  	s2 =	sadd.s32 s2, s17  }
0x8e: {  	[smem:$0x3FC3] =	sst s2  }
0x8f: {  	_ = 	snop  }
0x90: {  	s18 =	sld [smem:$0x3FD0];
	(tm) =	ssettm $0x1  }
0x91: {  	s19 =	sld [smem:$0x3FFB];
	_ =	sdelay $0x3  }
0x92: {  	_ =	strace s19  }
0x93: {  	s2 =	sld [smem:$0x3FFC];
	_ =	sdelay $0x3  }
0x94: {  	_ =	strace s2  }
0x95: {  	s2 =	sld [smem:$0x3FFD];
	_ =	sdelay $0x3  }
0x96: {  	_ =	strace s2  }
0x97: {  	_ =	strace $0x8FFFFFFF  }
0x98: {  	s20 =	sld [smem:$0x3FDB];
	_ =	sdelay $0x1  }
0x99: {  	s4 =	simm.s32 $_scs_section_size  }
0x9a: {  	s5 =	simm.s32 $_size__tile_overlayer_lowered;
	s6 =	simm.s32 $_tile_overlayer_lowered  }
0x9b: {  	s7 =	simm.s32 $0x1BFF;
	s21 =	sshll.u32 s6, $0x1;
	s4 =	sadd.s32 s4, s20  }
0x9c: {  	s22 =	simm.s32 $0x0;
	s5 =	sshll.u32 s5, $0x1;
	s6 =	sadd.s32 s21, s4  }
0x9d: {  	[timem:s22], [sflag:s7] =	dma.local [hbm:s6], s5  }
0x9e: {  	_ =	swait.ge [sflag:s7], s5  }
0x9f: {  	s5 =	ssub.s32 $0x0, s5;
	[sflag:s7] =	ssyncset.done $0x0  }
0xa0: {  	[sflag:s7] =	ssyncadd.s32 s5;
	_ =	sdelay $0x1  }
0xa1: {  	s23 =	simm.s32 $0x1B8B  }
0xa2: {  	_ =	swait.ge [sflag:s23], $0x1  }
0xa3: {  	[sflag:s23] =	ssyncset.done $0x0  }
0xa4: {  	[sflag:s23] =	ssyncadd.s32 $0xFFFFFFFF  }
0xa5: {  	s5 =	sld [smem:$0x0]  }
0xa6: {  	s6 =	sand.u32 $0xFFFFFFFE, s1  }
0xa7: {  	p0 =	sne.s32 s1, s6  }
0xa8: {  	s6 =	sshll.u32 @p0 s6, $0xE  }
0xa9: {  	s6 =	sadd.s32 @p0 $0x11B8D, s6;
	s7 =	sshll.u32 @p0 s5, $0x11  }
0xaa: {  	s6 =	sor.u32 @p0 s7, s6  }
0xab: {  	[sflag:s6] =	ssyncadd.remote.s32 @p0 $0x1;
	_ =	sdelay $0x1  }
0xac: {  	s6 =	simm.s32 @p0 $0x1B8D  }
0xad: {  	_ =	swait.eq @p0 [sflag:s6], $0x1  }
0xae: {  	[sflag:s6] =	ssyncadd.s32 @p0 $0xFFFFFFFF  }
0xaf: {  	s7 =	sshll.u32 @!p0 s1, $0xE  }
0xb0: {  	s7 =	sor.u32 @!p0 $0x4000, s7;
	s6 =	simm.s32 @!p0 $0x1B8D  }
0xb1: {  	s5 =	sshll.u32 @!p0 s5, $0x11;
	s7 =	sadd.s32 @!p0 $0x11B8D, s7;
	_ =	swait.eq @!p0 [sflag:s6], $0x1  }
0xb2: {  	s5 =	sor.u32 @!p0 s5, s7;
	[sflag:s6] =	ssyncadd.s32 @!p0 $0xFFFFFFFF  }
0xb3: {  	s25 =	simm.s32 $0x1B8E;
	s24 =	sld [smem:$0x3FFE];
	[sflag:s5] =	ssyncadd.remote.s32 @!p0 $0x1  }
0xb4: {  	s26 =	simm.s32 $execute0_lowered;
	[smem:$0x3FD2] =	sst s25  }
0xb5: {  	s6 =	sshll.u32 s26, $0x1;
	_ =	strace $0x80000049;
	[dreg:$0x1] =	wrdreg $0xFFFFFFFF  }
0xb6: {  	s28 =	simm.s32 $_size_execute0_lowered;
	s4 =	sadd.s32 s4, s6;
	[dreg:$0x0] =	wrdreg $0x0  }
0xb7: {  	s6 =	sshll.u32 s28, $0x1;
	[dreg:$0x2] =	wrdreg s4  }
0xb8: {  	[dreg:$0x3] =	wrdreg s6  }
0xb9: {  	[dreg:$0x4] =	wrdreg $0xC0  }
0xba: {  	_ =	task [dreg:s22], $0x5FFFF  }
0xbb: {  	[dreg:$0x1] =	wrdreg $0xFFFFFFFF  }
0xbc: {  	[dreg:$0x0] =	wrdreg $0x60  }
0xbd: {  	[dreg:$0x2] =	wrdreg s18  }
0xbe: {  	[dreg:$0x3] =	wrdreg s24  }
0xbf: {  	[dreg:$0x4] =	wrdreg $0x29000  }
0xc0: {  	[dreg:$0x5] =	wrdreg $0xA  }
0xc1: {  	_ =	task.clear_ibuf [dreg:s22], $0x6FFFF;
	_ =	strace $0x90000049  }
0xc2: {  	s29 =	simm.s32 $0xA;
	_ =	strace $0x8000004B  }
0xc3: {  	_ =	swait.ge [sflag:s29], $0x1  }
0xc4: {  	[sflag:s29] =	ssyncadd.s32 $0xFFFFFFFF  }
0xc5: {  	_ =	strace $0x9000004B  }
0xc6: {  	_ =	sfence  }
0xc7: {  	s30 =	sld [smem:$0x0];
	_ =	sdelay $0x2  }
0xc8: {  	s31 =	sshll.u32 s1, $0xD;
	s1 =	sshrl.u32 s1, $0x2  }
0xc9: {  	s4 =	sand.u32 $0x4000, s31;
	s1 =	sadd.s32 s1, s30  }
0xca: {  	s0 =	sor.u32 s4, s0;
	s1 =	sshll.u32 s1, $0x11  }
0xcb: {  	s0 =	sor.u32 s1, s0  }
0xcc: {  	s0 =	sadd.s32 $0x8F2B, s0  }
0xcd: {  	[sflag:s0] =	ssyncadd.remote.s32 $0x1  }
0xce: {  	_ =	sfence.sel $0xFFFF  }
0xcf: {  	[dreg:$0x0] =	wrdreg $0xFFFFFFFF;
	(pc) =	sbr.abs _section_cstart, $3  }
0xd0: {  	[dreg:$0x1] =	wrdreg $0xFFFFFFFF  }
0xd1: {  	_ =	task.clear_ibuf [dreg:s22], $0x2FFFF;
	_ =	strace $0x9FFFFFFF  }
0xd2: {  	(tm) =	ssettm $0x7FFFFFFF  }
0xd3: {  	_ =	shalt  }
tec
execute0_lowered:
.L_overlay_start_1:
0x0: {  	(tag) =	ssettag $0x1  }
0x1: {  	s1 =	rddreg [dreg:$0x0]  }
0x2: {  	s6 =	rddreg [dreg:$0x1]  }
0x3: {  	s2 =	rddreg [dreg:$0x2]  }
0x4: {  	s0 =	rddreg [dreg:$0x3]  }
0x5: {  	s3 =	simm.s32 $0x0;
	s4 =	srdreg.scid;
	s11 =	stileid.u32  }
0x6: {  	s14 =	simm.s32 $0x80;
	s15 =	simm.s32 $0x50;
	s16 =	simm.s32 $0x2  }
0x7: {  	s17 =	simm.s32 $0x1;
	s18 =	simm.s32 $0x0;
	[smem:$0x7FF] =	sst s3  }
0x8: {  	s7 =	sand.u32 $0x1, s4;
	s4 =	sadd.s32 $0xAE00, s6;
	s12 =	smul.u32 $0x2710, s11  }
0x9: {  	p0 =	sne.s32 s11, $0x0;
	_ =	strace $0x8000004A;
	s8 =	smul.u32 $0x27800, s7  }
0xa: {  	s5 =	sshll.u32 s7, $0x4;
	s9 =	smul.u32 $0x27100, s7;
	s7 =	ssub.s32 $0x2, s7  }
0xb: {  	s13 =	sshrl.u32 @!p0 s2, $0x3;
	s10 =	sor.u32 s11, s5;
	s5 =	sadd.s32 $0x81600, s6  }
0xc: {  	s28 =	sshrl.u32 s7, $0x1;
	s11 =	simm.s32 $0x100;
	s10 =	smul.u32 $0x2710, s10  }
0xd: {  	s8 =	sadd.s32 s8, s6;
	s9 =	sadd.s32 s12, s9;
	s29 =	ssub.s32 s7, s28  }
0xe: {  	s12 =	simm.s32 $0x3;
	s31 =	sadd.s32 $0x50, s9;
	s7 =	sadd.s32 $0x81C00, s8  }
0xf: {  	s8 =	smax.u32 s29, $0x1;
	s30 =	sshrl.u32 s10, $0x3;
	s10 =	sshrl.u32 s31, $0x3  }
0x10: {  	s9 =	sadd.s32 $0xA0, s9;
	s6 =	sadd.s32 s1, s30;
	s10 =	sadd.s32 s10, s1  }
.LBB2_1:
0x11: {  	[tilespmem:s11], [sflag:$0x3] =	stream.linear.gather [hbm4b:s5+s3], $0x2800, $0x38;
	[tilespmem:$0x16500] =	vst v63  }
0x12: {  	_ =	swait.ge [sflag:s12], $0x2800  }
0x13: {  	[sflag:s12] =	ssyncset.done $0x0  }
0x14: {  	s19 =	simm.s32 @!p0 $0x1C03;
	[sflag:s12] =	ssyncadd.s32 $0xFFFFD800  }
0x15: {  	[spmem:s13], [sflag:s19] =	dma.local @!p0 [hbm:s4], $0x27800  }
0x16: {  	s19 =	simm.s32 @!p0 $0x3  }
0x17: {  	_ =	swait.ge @!p0 [sflag:s19], $0x27800  }
0x18: {  	[sflag:s19] =	ssyncset.done @!p0 $0x0  }
0x19: {  	[sflag:s19] =	ssyncadd.s32 @!p0 $0xFFFD8800  }
0x1a: {  	[bflag:$0x0] =	sbarrier.arrive $0xFFFF  }
0x1b: {  	[tilespmem:s3], [sflag:$0x3] =	stream.linear.gather [hbm4b:s6+s3], $0x50, $0x38;
	[tilespmem:$0x16500] =	vst v63  }
0x1c: {  	_ =	swait.ge [sflag:s12], $0x50  }
0x1d: {  	[sflag:s12] =	ssyncset.done $0x0  }
0x1e: {  	s30 =	sadd.s32 $0x0, s10;
	[sflag:s12] =	ssyncadd.s32 $0xFFFFFFB0  }
0x1f: {  	[tilespmem:s14], [sflag:$0x2] =	stream.linear.gather [hbm4b:s30+s3], $0x50, $0x38;
	[tilespmem:$0x16500] =	vst v63  }
0x20: {  	_ = 	snop  }
0x21: {  	[spmem:s2] =	stream.indirect.scatter.add.f32 [tilespmem:s11], [sflag:$0x3], $0x80, s3, s15, $0xb8;
	[tilespmem:$0x16500] =	vst v63  }
0x22: {  	_ =	swait.ge [sflag:s12], $0x2800  }
0x23: {  	[sflag:s12] =	ssyncset.done $0x0  }
0x24: {  	[sflag:s12] =	ssyncadd.s32 $0xFFFFD800  }
0x25: {  	_ =	swait.ge [sflag:s16], $0x50  }
0x26: {  	s31 =	sshrl.u32 s9, $0x3;
	[sflag:s16] =	ssyncset.done $0x0  }
0x27: {  	s19 =	sadd.s32 s1, s31;
	[sflag:s16] =	ssyncadd.s32 $0xFFFFFFB0  }
0x28: {  	[tilespmem:s3], [sflag:$0x1] =	stream.linear.gather [hbm4b:s19+s3], $0x50, $0x38;
	[tilespmem:$0x16500] =	vst v63  }
0x29: {  	_ = 	snop  }
0x2a: {  	[spmem:s2] =	stream.indirect.scatter.add.f32 [tilespmem:s11], [sflag:$0x3], $0x80, s14, s15, $0xb8;
	[tilespmem:$0x16500] =	vst v63  }
0x2b: {  	_ =	swait.ge [sflag:s12], $0x2800  }
0x2c: {  	[sflag:s12] =	ssyncset.done $0x0  }
0x2d: {  	[sflag:s12] =	ssyncadd.s32 $0xFFFFD800  }
0x2e: {  	s20 =	simm.s32 $0x14;
	_ =	swait.ge [sflag:s17], $0x50  }
0x2f: {  	s21 =	simm.s32 $0x28;
	s19 =	sadd.s32 $0xA0, s9;
	[sflag:s17] =	ssyncset.done $0x0  }
.LBB2_2:
0x30: {  	s22 =	sadd.s32 s20, s10  }
0x31: {  	[sflag:s17] =	ssyncadd.s32 $0xFFFFFFB0;
	s20 =	smov.u32 s21;
	s23 =	sadd.s32 $0x14, s21  }
0x32: {  	[tilespmem:s14], [sflag:$0x2] =	stream.linear.gather [hbm4b:s22+s3], $0x50, $0x38;
	[tilespmem:$0x16500] =	vst v63  }
0x33: {  	p1 =	sne.s32 s21, $0x4C4  }
0x34: {  	[spmem:s2] =	stream.indirect.scatter.add.f32 [tilespmem:s11], [sflag:$0x3], $0x80, s3, s15, $0xb8;
	[tilespmem:$0x16500] =	vst v63  }
0x35: {  	_ =	swait.ge [sflag:s12], $0x2800  }
0x36: {  	[sflag:s12] =	ssyncset.done $0x0  }
0x37: {  	[sflag:s12] =	ssyncadd.s32 $0xFFFFD800  }
0x38: {  	_ =	swait.ge [sflag:s16], $0x50  }
0x39: {  	s21 =	sshrl.u32 s19, $0x3;
	[sflag:s16] =	ssyncset.done $0x0  }
0x3a: {  	s21 =	sadd.s32 s1, s21;
	[sflag:s16] =	ssyncadd.s32 $0xFFFFFFB0  }
0x3b: {  	[tilespmem:s3], [sflag:$0x1] =	stream.linear.gather [hbm4b:s21+s3], $0x50, $0x38;
	[tilespmem:$0x16500] =	vst v63  }
0x3c: {  	_ = 	snop  }
0x3d: {  	[spmem:s2] =	stream.indirect.scatter.add.f32 [tilespmem:s11], [sflag:$0x3], $0x80, s14, s15, $0xb8;
	[tilespmem:$0x16500] =	vst v63  }
.Ltmp0:
0x3e: {  	_ =	swait.ge [sflag:s12], $0x2800;
	(pc) =	sbr.rel @p1 .LBB2_2-.Ltmp0, $4  }
0x3f: {  	[sflag:s12] =	ssyncset.done $0x0  }
0x40: {  	[sflag:s12] =	ssyncadd.s32 $0xFFFFD800  }
0x41: {  	_ =	swait.ge [sflag:s17], $0x50  }
0x42: {  	s19 =	sadd.s32 $0xA0, s19;
	s21 =	smov.u32 s23;
	[sflag:s17] =	ssyncset.done $0x0  }
0x43: {  	s20 =	sadd.s32 s20, s10;
	[sflag:s17] =	ssyncadd.s32 $0xFFFFFFB0  }
0x44: {  	[tilespmem:s14], [sflag:$0x2] =	stream.linear.gather [hbm4b:s20+s3], $0x50, $0x38;
	[tilespmem:$0x16500] =	vst v63  }
0x45: {  	_ = 	snop  }
0x46: {  	[spmem:s2] =	stream.indirect.scatter.add.f32 [tilespmem:s11], [sflag:$0x3], $0x80, s3, s15, $0xb8;
	[tilespmem:$0x16500] =	vst v63  }
0x47: {  	_ =	swait.ge [sflag:s12], $0x2800  }
0x48: {  	[sflag:s12] =	ssyncset.done $0x0  }
0x49: {  	[sflag:s12] =	ssyncadd.s32 $0xFFFFD800  }
0x4a: {  	_ =	swait.ge [sflag:s16], $0x50  }
0x4b: {  	s19 =	sshrl.u32 s19, $0x3;
	[sflag:s16] =	ssyncset.done $0x0  }
0x4c: {  	s19 =	sadd.s32 s1, s19;
	[sflag:s16] =	ssyncadd.s32 $0xFFFFFFB0  }
0x4d: {  	[tilespmem:s3], [sflag:$0x1] =	stream.linear.gather [hbm4b:s19+s3], $0x50, $0x38;
	[tilespmem:$0x16500] =	vst v63  }
0x4e: {  	_ = 	snop  }
0x4f: {  	[spmem:s2] =	stream.indirect.scatter.add.f32 [tilespmem:s11], [sflag:$0x3], $0x80, s14, s15, $0xb8;
	[tilespmem:$0x16500] =	vst v63  }
0x50: {  	_ =	swait.ge [sflag:s12], $0x2800  }
0x51: {  	[sflag:s12] =	ssyncset.done $0x0  }
0x52: {  	[sflag:s12] =	ssyncadd.s32 $0xFFFFD800  }
0x53: {  	_ =	swait.ge [sflag:s17], $0x50  }
0x54: {  	[sflag:s17] =	ssyncset.done $0x0  }
0x55: {  	[sflag:s17] =	ssyncadd.s32 $0xFFFFFFB0  }
0x56: {  	[spmem:s2] =	stream.indirect.scatter.add.f32 [tilespmem:s11], [sflag:$0x3], $0x80, s3, s15, $0xb8;
	[tilespmem:$0x16500] =	vst v63  }
0x57: {  	_ =	swait.ge [sflag:s12], $0x2800  }
0x58: {  	[sflag:s12] =	ssyncset.done $0x0  }
0x59: {  	s18 =	sadd.s32 $0x1, s18;
	[sflag:s12] =	ssyncadd.s32 $0xFFFFD800  }
0x5a: {  	p1 =	sne.s32 s18, s8;
	s19 =	simm.s32 @!p0 $0x1C03;
	[bflag:$0x0] =	sbarrier.arrive $0xFFFF  }
0x5b: {  	[hbm:s7], [sflag:s19] =	dma.local @!p0 [spmem:s13], $0x27800  }
.Ltmp1:
0x5c: {  	_ = 	snop;
	(pc) =	sbr.rel @p1 .LBB2_1-.Ltmp1, $4  }
0x5d: {  	s19 =	simm.s32 @!p0 $0x3  }
0x5e: {  	_ =	swait.ge @!p0 [sflag:s19], $0x27800  }
0x5f: {  	[sflag:s19] =	ssyncset.done @!p0 $0x0  }
0x60: {  	[sflag:s19] =	ssyncadd.s32 @!p0 $0xFFFD8800  }
0x61: {  	_ =	sfence.sel $0x180000  }
0x62: {  	[bflag:$0x0] =	sbarrier.arrive $0xFFFF  }
0x63: {  	_ =	strace $0x9000004A  }
0x64: {  	s0 =	sadd.s32 @!p0 $0x100000, s0;
	[bflag:$0x2] =	sbarrier.arrive $0xFFFF  }
0x65: {  	[sflag:s0] =	ssyncadd.tile.s32 @!p0 $0x1;
	_ =	shalt  }
.Lfunc_end2:
_tile_overlayer_lowered:
.L_overlay_start_2:
0x66: {  	(tag) =	ssettag $0x2  }
0x67: {  	s0 =	rddreg [dreg:$0x0];
	s2 =	stileid.u32  }
0x68: {  	s1 =	rddreg [dreg:$0x1];
	p0 =	sne.s32 s2, $0x0  }
0x69: {  	s3 =	rddreg [dreg:$0x2];
	[bflag:$0x3] =	sbarrier.arrive $0xFFFF;
	s2 =	simm.s32 @!p0 $0x1C03  }
0x6a: {  	[timem:s3], [sflag:s2] =	dma.local @!p0 [hbm:s0], s1  }
0x6b: {  	s0 =	simm.s32 @!p0 $0x3  }
0x6c: {  	_ =	swait.ge @!p0 [sflag:s0], s1  }
0x6d: {  	s1 =	ssub.s32 @!p0 $0x0, s1;
	[sflag:s0] =	ssyncset.done @!p0 $0x0  }
0x6e: {  	[sflag:s0] =	ssyncadd.s32 @!p0 s1  }
0x6f: {  	[bflag:$0x3] =	sbarrier.arrive $0xFFFF  }
0x70: {  	_ =	shalt  }

</sc_bundles>
